<compile_context>
chip_gen: v7x
topology: tpu7x:2x2x1
jax: 0.10.2.dev20260603
libtpu: 0.0.44.dev20260713+nightly
codegen_flags: <defaults>
</compile_context>

<pallas_src>
import functools

import jax
import jax.numpy as jnp
from jax import lax
from jax.experimental import pallas as pl
from jax.experimental.pallas import tpu as pltpu
from jax.experimental.pallas import tpu_sc as plsc

_LO = 0.3
_HI = 0.7
_CHUNK_EIGHTHS = (4, 4)


@functools.cache
def _build(batch: int):
    info = plsc.get_sparse_core_info()
    nc, ns, lanes = 1, info.num_subcores, info.num_lanes
    nw = nc * ns
    assert batch % (8 * nw) == 0
    b_per_w = batch // nw
    assert sum(_CHUNK_EIGHTHS) == 8 and b_per_w % (8 * lanes) == 0
    sizes = [e * (b_per_w // 8) for e in _CHUNK_EIGHTHS]
    offs = [sum(sizes[:k]) for k in range(len(sizes))]
    nch = len(sizes)
    mesh = plsc.VectorSubcoreMesh(core_axis_name="c", subcore_axis_name="s",
                                  num_cores=1, num_subcores=ns)

    @functools.partial(
        pl.kernel,
        mesh=mesh,
        out_type=jax.ShapeDtypeStruct((batch,), jnp.float32),
        scratch_types=[
            pltpu.VMEM((b_per_w,), jnp.int32),
            pltpu.VMEM((b_per_w,), jnp.float32),
            pltpu.SemaphoreType.DMA((nch,)),
            pltpu.SemaphoreType.DMA((nch,)),
            pltpu.SemaphoreType.DMA((nch,)),
        ],
    )
    def gather_clip(table_hbm, idx_hbm, out_hbm, idx_v, vals_v, sem_i, sem_g, sem_s):
        wid = lax.axis_index("s") * nc + lax.axis_index("c")
        base = wid * b_per_w
        pltpu.async_copy(
            idx_hbm.at[pl.ds(base + offs[0], sizes[0])],
            idx_v.at[pl.ds(offs[0], sizes[0])], sem_i.at[0])
        if nch > 1:
            pltpu.async_copy(
                idx_hbm.at[pl.ds(base + offs[1], b_per_w - sizes[0])],
                idx_v.at[pl.ds(offs[1], b_per_w - sizes[0])], sem_i.at[1])
        pltpu.make_async_copy(
            idx_hbm.at[pl.ds(base + offs[0], sizes[0])],
            idx_v.at[pl.ds(offs[0], sizes[0])], sem_i.at[0]).wait()
        pltpu.async_copy(
            table_hbm.at[idx_v.at[pl.ds(offs[0], sizes[0])]],
            vals_v.at[pl.ds(offs[0], sizes[0])], sem_g.at[0])
        if nch > 1:
            pltpu.make_async_copy(
                idx_hbm.at[pl.ds(base + offs[1], b_per_w - sizes[0])],
                idx_v.at[pl.ds(offs[1], b_per_w - sizes[0])], sem_i.at[1]).wait()
        for k in range(1, nch):
            pltpu.async_copy(
                table_hbm.at[idx_v.at[pl.ds(offs[k], sizes[k])]],
                vals_v.at[pl.ds(offs[k], sizes[k])], sem_g.at[k])
        for k in range(nch):
            pltpu.make_async_copy(
                table_hbm.at[idx_v.at[pl.ds(offs[k], sizes[k])]],
                vals_v.at[pl.ds(offs[k], sizes[k])], sem_g.at[k]).wait()
            for i in range(sizes[k] // lanes):
                sl = pl.ds(offs[k] + i * lanes, lanes)
                vals_v[sl] = jnp.minimum(jnp.maximum(vals_v[sl], _LO), _HI)
            pltpu.async_copy(
                vals_v.at[pl.ds(offs[k], sizes[k])],
                out_hbm.at[pl.ds(base + offs[k], sizes[k])], sem_s.at[0])
        pltpu.make_async_copy(vals_v, out_hbm.at[pl.ds(base, b_per_w)],
                              sem_s.at[0]).wait()

    return gather_clip


def kernel(class_sigmas, labels):
    return _build(labels.shape[0])(class_sigmas, labels)

# --- scband reference (transcript-rebuilt; emitter-appended) ---
"""Pipeline reference for scband-per-class-sigma-module-6270652252212 (READ-ONLY COPY).

The authoritative reference and input builder live on the scoring server;
editing this copy changes nothing except your own understanding.
"""

import jax, jax.numpy as jnp
import numpy as np

NUM_CLASSES = 100000
INIT_SIGMA = 0.5
BATCH = 16384


def setup_inputs(seed: int = 0) -> dict:
    key = jax.random.key(seed)
    k_labels, = jax.random.split(key, 1)
    labels = jax.random.randint(k_labels, (BATCH,), 0, NUM_CLASSES, dtype=jnp.int64 if jax.config.jax_enable_x64 else jnp.int32).astype(jnp.int32)
    # learned parameter: per-class sigma, initialized to init_sigma
    class_sigmas = jnp.full((NUM_CLASSES,), INIT_SIGMA, dtype=jnp.float32)
    return {"class_sigmas": class_sigmas, "labels": labels}


def reference(class_sigmas, labels):
    # get_sigma: gather per-label sigma then clamp to [0.3, 0.7]
    sigmas = jnp.take(class_sigmas, labels, axis=0)
    return jnp.clip(sigmas, 0.3, 0.7)

if __name__ == "__main__":
    import jax
    _d = setup_inputs()
    print(jax.jit(kernel)(*tuple(_d.values())))

</pallas_src>

<mosaic_0001>
#map = affine_map<(d0, d1) -> (0)>
module attributes {stable_mosaic.version = 14 : i64} {
  func.func @gather_clip(%arg0: i32, %arg1: i32, %arg2: memref<100000xf32, #tpu.memory_space<hbm>>, %arg3: memref<16384xi32, #tpu.memory_space<hbm>>, %arg4: memref<16384xf32, #tpu.memory_space<hbm>>, %arg5: memref<1024xi32, #tpu.memory_space<vmem>>, %arg6: memref<1024xf32, #tpu.memory_space<vmem>>, %arg7: memref<2x!tpu.dma_semaphore, #tpu.memory_space<semaphore_mem>>, %arg8: memref<2x!tpu.dma_semaphore, #tpu.memory_space<semaphore_mem>>, %arg9: memref<2x!tpu.dma_semaphore, #tpu.memory_space<semaphore_mem>>) attributes {dimension_semantics = [#tpu.dimension_semantics<core_parallel>, #tpu.dimension_semantics<subcore_parallel>], iteration_bounds = array<i64: 1, 16>, scalar_prefetch = 0 : i64, scratch_operands = 5 : i64, tpu.core_type = #tpu.core_type<sc_vector_subcore>, window_params = [{transform_indices = #map}, {transform_indices = #map}, {transform_indices = #map}]} {
    %mul3A = arith.constant 1 : i32
    %mul3A_0 = arith.muli %arg1, %mul3A : i32
    %add3A = arith.addi %mul3A_0, %arg0 : i32
    %mul3A_1 = arith.constant 1024 : i32
    %mul3A_2 = arith.muli %add3A, %mul3A_1 : i32
    %add3A_3 = arith.constant 0 : i32
    %add3A_4 = arith.addi %mul3A_2, %add3A_3 : i32
    %dma_start3A = arith.constant 0 : i32
    %dma_start3A_5 = arith.constant 0 : i32
    %dma_start3A_6 = tpu.memref_slice %arg5[%dma_start3A_5] : memref<1024xi32, #tpu.memory_space<vmem>> -> memref<512xi32, #tpu.memory_space<vmem>>
    %dma_start3A_7 = tpu.memref_slice %arg3[%add3A_4] : memref<16384xi32, #tpu.memory_space<hbm>> -> memref<512xi32, #tpu.memory_space<hbm>>
    %dma_start3A_8 = tpu.memref_slice %arg7[%dma_start3A] : memref<2x!tpu.dma_semaphore, #tpu.memory_space<semaphore_mem>> -> memref<1x!tpu.dma_semaphore, #tpu.memory_space<semaphore_mem>>
    %dma_start3A_9 = tpu.memref_squeeze %dma_start3A_8 : memref<1x!tpu.dma_semaphore, #tpu.memory_space<semaphore_mem>> -> memref<!tpu.dma_semaphore, #tpu.memory_space<semaphore_mem>>
    %dma_start3A_10 = arith.constant 0 : i32
    %dma_start3A_11 = tpu.memref_slice %arg5[%dma_start3A_10] : memref<1024xi32, #tpu.memory_space<vmem>> -> memref<512xi32, #tpu.memory_space<vmem>>
    %dma_start3A_12 = tpu.memref_slice %arg3[%add3A_4] : memref<16384xi32, #tpu.memory_space<hbm>> -> memref<512xi32, #tpu.memory_space<hbm>>
    tpu.enqueue_dma source(%dma_start3A_12 : memref<512xi32, #tpu.memory_space<hbm>>) target(%dma_start3A_11 : memref<512xi32, #tpu.memory_space<vmem>>) target_semaphore(%dma_start3A_9 : memref<!tpu.dma_semaphore, #tpu.memory_space<semaphore_mem>>)
    %add3A_13 = arith.constant 512 : i32
    %add3A_14 = arith.addi %mul3A_2, %add3A_13 : i32
    %dma_start3A_15 = arith.constant 1 : i32
    %dma_start3A_16 = arith.constant 512 : i32
    %dma_start3A_17 = tpu.memref_slice %arg5[%dma_start3A_16] : memref<1024xi32, #tpu.memory_space<vmem>> -> memref<512xi32, #tpu.memory_space<vmem>>
    %dma_start3A_18 = tpu.memref_slice %arg3[%add3A_14] : memref<16384xi32, #tpu.memory_space<hbm>> -> memref<512xi32, #tpu.memory_space<hbm>>
    %dma_start3A_19 = tpu.memref_slice %arg7[%dma_start3A_15] : memref<2x!tpu.dma_semaphore, #tpu.memory_space<semaphore_mem>> -> memref<1x!tpu.dma_semaphore, #tpu.memory_space<semaphore_mem>>
    %dma_start3A_20 = tpu.memref_squeeze %dma_start3A_19 : memref<1x!tpu.dma_semaphore, #tpu.memory_space<semaphore_mem>> -> memref<!tpu.dma_semaphore, #tpu.memory_space<semaphore_mem>>
    %dma_start3A_21 = arith.constant 512 : i32
    %dma_start3A_22 = tpu.memref_slice %arg5[%dma_start3A_21] : memref<1024xi32, #tpu.memory_space<vmem>> -> memref<512xi32, #tpu.memory_space<vmem>>
    %dma_start3A_23 = tpu.memref_slice %arg3[%add3A_14] : memref<16384xi32, #tpu.memory_space<hbm>> -> memref<512xi32, #tpu.memory_space<hbm>>
    tpu.enqueue_dma source(%dma_start3A_23 : memref<512xi32, #tpu.memory_space<hbm>>) target(%dma_start3A_22 : memref<512xi32, #tpu.memory_space<vmem>>) target_semaphore(%dma_start3A_20 : memref<!tpu.dma_semaphore, #tpu.memory_space<semaphore_mem>>)
    %add3A_24 = arith.constant 0 : i32
    %add3A_25 = arith.addi %mul3A_2, %add3A_24 : i32
    %dma_wait3A = arith.constant 0 : i32
    %dma_wait3A_26 = arith.constant 0 : i32
    %dma_wait3A_27 = tpu.memref_slice %arg5[%dma_wait3A_26] : memref<1024xi32, #tpu.memory_space<vmem>> -> memref<512xi32, #tpu.memory_space<vmem>>
    %dma_wait3A_28 = tpu.memref_slice %arg3[%add3A_25] : memref<16384xi32, #tpu.memory_space<hbm>> -> memref<512xi32, #tpu.memory_space<hbm>>
    %dma_wait3A_29 = tpu.memref_slice %arg7[%dma_wait3A] : memref<2x!tpu.dma_semaphore, #tpu.memory_space<semaphore_mem>> -> memref<1x!tpu.dma_semaphore, #tpu.memory_space<semaphore_mem>>
    %dma_wait3A_30 = tpu.memref_squeeze %dma_wait3A_29 : memref<1x!tpu.dma_semaphore, #tpu.memory_space<semaphore_mem>> -> memref<!tpu.dma_semaphore, #tpu.memory_space<semaphore_mem>>
    %dma_wait3A_31 = arith.constant 0 : i32
    %dma_wait3A_32 = tpu.memref_slice %arg5[%dma_wait3A_31] : memref<1024xi32, #tpu.memory_space<vmem>> -> memref<512xi32, #tpu.memory_space<vmem>>
    %dma_wait3A_33 = tpu.memref_slice %arg3[%add3A_25] : memref<16384xi32, #tpu.memory_space<hbm>> -> memref<512xi32, #tpu.memory_space<hbm>>
    tpu.wait_dma2 semaphore(%dma_wait3A_30 : memref<!tpu.dma_semaphore, #tpu.memory_space<semaphore_mem>>) src(%dma_wait3A_33 : memref<512xi32, #tpu.memory_space<hbm>>) dst(%dma_wait3A_32 : memref<512xi32, #tpu.memory_space<vmem>>)
    %dma_start3A_34 = arith.constant 0 : i32
    %dma_start3A_35 = arith.constant 0 : i32
    %dma_start3A_36 = tpu.memref_slice %arg6[%dma_start3A_35] : memref<1024xf32, #tpu.memory_space<vmem>> -> memref<512xf32, #tpu.memory_space<vmem>>
    %dma_start3A_37 = arith.constant 0 : i32
    %dma_start3A_38 = tpu.memref_slice %arg5[%dma_start3A_37] : memref<1024xi32, #tpu.memory_space<vmem>> -> memref<512xi32, #tpu.memory_space<vmem>>
    %dma_start3A_39 = arith.constant 0 : i32
    %dma_start3A_40 = tpu.memref_slice %arg2[%dma_start3A_39] : memref<100000xf32, #tpu.memory_space<hbm>> -> memref<100000xf32, #tpu.memory_space<hbm>>
    %dma_start3A_41 = tpu.memref_slice %arg8[%dma_start3A_34] : memref<2x!tpu.dma_semaphore, #tpu.memory_space<semaphore_mem>> -> memref<1x!tpu.dma_semaphore, #tpu.memory_space<semaphore_mem>>
    %dma_start3A_42 = tpu.memref_squeeze %dma_start3A_41 : memref<1x!tpu.dma_semaphore, #tpu.memory_space<semaphore_mem>> -> memref<!tpu.dma_semaphore, #tpu.memory_space<semaphore_mem>>
    tpu.enqueue_indirect_dma source(%dma_start3A_40 : memref<100000xf32, #tpu.memory_space<hbm>>) target(%dma_start3A_36 : memref<512xf32, #tpu.memory_space<vmem>>) offsets(%dma_start3A_38 : memref<512xi32, #tpu.memory_space<vmem>>) semaphore(%dma_start3A_42 : memref<!tpu.dma_semaphore, #tpu.memory_space<semaphore_mem>>)
    %add3A_43 = arith.constant 512 : i32
    %add3A_44 = arith.addi %mul3A_2, %add3A_43 : i32
    %dma_wait3A_45 = arith.constant 1 : i32
    %dma_wait3A_46 = arith.constant 512 : i32
    %dma_wait3A_47 = tpu.memref_slice %arg5[%dma_wait3A_46] : memref<1024xi32, #tpu.memory_space<vmem>> -> memref<512xi32, #tpu.memory_space<vmem>>
    %dma_wait3A_48 = tpu.memref_slice %arg3[%add3A_44] : memref<16384xi32, #tpu.memory_space<hbm>> -> memref<512xi32, #tpu.memory_space<hbm>>
    %dma_wait3A_49 = tpu.memref_slice %arg7[%dma_wait3A_45] : memref<2x!tpu.dma_semaphore, #tpu.memory_space<semaphore_mem>> -> memref<1x!tpu.dma_semaphore, #tpu.memory_space<semaphore_mem>>
    %dma_wait3A_50 = tpu.memref_squeeze %dma_wait3A_49 : memref<1x!tpu.dma_semaphore, #tpu.memory_space<semaphore_mem>> -> memref<!tpu.dma_semaphore, #tpu.memory_space<semaphore_mem>>
    %dma_wait3A_51 = arith.constant 512 : i32
    %dma_wait3A_52 = tpu.memref_slice %arg5[%dma_wait3A_51] : memref<1024xi32, #tpu.memory_space<vmem>> -> memref<512xi32, #tpu.memory_space<vmem>>
    %dma_wait3A_53 = tpu.memref_slice %arg3[%add3A_44] : memref<16384xi32, #tpu.memory_space<hbm>> -> memref<512xi32, #tpu.memory_space<hbm>>
    tpu.wait_dma2 semaphore(%dma_wait3A_50 : memref<!tpu.dma_semaphore, #tpu.memory_space<semaphore_mem>>) src(%dma_wait3A_53 : memref<512xi32, #tpu.memory_space<hbm>>) dst(%dma_wait3A_52 : memref<512xi32, #tpu.memory_space<vmem>>)
    %dma_start3A_54 = arith.constant 1 : i32
    %dma_start3A_55 = arith.constant 512 : i32
    %dma_start3A_56 = tpu.memref_slice %arg6[%dma_start3A_55] : memref<1024xf32, #tpu.memory_space<vmem>> -> memref<512xf32, #tpu.memory_space<vmem>>
    %dma_start3A_57 = arith.constant 512 : i32
    %dma_start3A_58 = tpu.memref_slice %arg5[%dma_start3A_57] : memref<1024xi32, #tpu.memory_space<vmem>> -> memref<512xi32, #tpu.memory_space<vmem>>
    %dma_start3A_59 = arith.constant 0 : i32
    %dma_start3A_60 = tpu.memref_slice %arg2[%dma_start3A_59] : memref<100000xf32, #tpu.memory_space<hbm>> -> memref<100000xf32, #tpu.memory_space<hbm>>
    %dma_start3A_61 = tpu.memref_slice %arg8[%dma_start3A_54] : memref<2x!tpu.dma_semaphore, #tpu.memory_space<semaphore_mem>> -> memref<1x!tpu.dma_semaphore, #tpu.memory_space<semaphore_mem>>
    %dma_start3A_62 = tpu.memref_squeeze %dma_start3A_61 : memref<1x!tpu.dma_semaphore, #tpu.memory_space<semaphore_mem>> -> memref<!tpu.dma_semaphore, #tpu.memory_space<semaphore_mem>>
    tpu.enqueue_indirect_dma source(%dma_start3A_60 : memref<100000xf32, #tpu.memory_space<hbm>>) target(%dma_start3A_56 : memref<512xf32, #tpu.memory_space<vmem>>) offsets(%dma_start3A_58 : memref<512xi32, #tpu.memory_space<vmem>>) semaphore(%dma_start3A_62 : memref<!tpu.dma_semaphore, #tpu.memory_space<semaphore_mem>>)
    %dma_wait3A_63 = arith.constant 0 : i32
    %dma_wait3A_64 = arith.constant 0 : i32
    %dma_wait3A_65 = tpu.memref_slice %arg6[%dma_wait3A_64] : memref<1024xf32, #tpu.memory_space<vmem>> -> memref<512xf32, #tpu.memory_space<vmem>>
    %dma_wait3A_66 = arith.constant 0 : i32
    %dma_wait3A_67 = tpu.memref_slice %arg5[%dma_wait3A_66] : memref<1024xi32, #tpu.memory_space<vmem>> -> memref<512xi32, #tpu.memory_space<vmem>>
    %dma_wait3A_68 = arith.constant 0 : i32
    %dma_wait3A_69 = tpu.memref_slice %arg2[%dma_wait3A_68] : memref<100000xf32, #tpu.memory_space<hbm>> -> memref<100000xf32, #tpu.memory_space<hbm>>
    %dma_wait3A_70 = tpu.memref_slice %arg8[%dma_wait3A_63] : memref<2x!tpu.dma_semaphore, #tpu.memory_space<semaphore_mem>> -> memref<1x!tpu.dma_semaphore, #tpu.memory_space<semaphore_mem>>
    %dma_wait3A_71 = tpu.memref_squeeze %dma_wait3A_70 : memref<1x!tpu.dma_semaphore, #tpu.memory_space<semaphore_mem>> -> memref<!tpu.dma_semaphore, #tpu.memory_space<semaphore_mem>>
    tpu.wait_indirect_dma semaphore(%dma_wait3A_71 : memref<!tpu.dma_semaphore, #tpu.memory_space<semaphore_mem>>) src(%dma_wait3A_69 : memref<100000xf32, #tpu.memory_space<hbm>>) dst(%dma_wait3A_65 : memref<512xf32, #tpu.memory_space<vmem>>)
    %get3A = arith.constant 0 : index
    %get3A_72 = tpu.vector_load %arg6[%get3A] {strides = array<i32>} : memref<1024xf32, #tpu.memory_space<vmem>>, vector<16xf32>,
    %get3A_73 = vector.shape_cast %get3A_72 : vector<16xf32> to vector<16xf32>
    %max3A = arith.constant 3.000000e-01 : f32
    %max3A_74 = vector.broadcast %max3A : f32 to vector<16xf32>
    %max3A_75 = arith.maximumf %get3A_73, %max3A_74 : vector<16xf32>
    %min3A = arith.constant 0.699999988 : f32
    %min3A_76 = vector.broadcast %min3A : f32 to vector<16xf32>
    %min3A_77 = arith.minimumf %max3A_75, %min3A_76 : vector<16xf32>
    %swap3A = arith.constant 0 : index
    %swap3A_78 = tpu.vector_load %arg6[%swap3A] {strides = array<i32>} : memref<1024xf32, #tpu.memory_space<vmem>>, vector<16xf32>,
    %swap3A_79 = vector.shape_cast %swap3A_78 : vector<16xf32> to vector<16xf32>
    %swap3A_80 = vector.shape_cast %min3A_77 : vector<16xf32> to vector<16xf32>
    tpu.vector_store %arg6[%swap3A], %swap3A_80 {strides = array<i32>} : memref<1024xf32, #tpu.memory_space<vmem>>, vector<16xf32>,
    %get3A_81 = arith.constant 16 : index
    %get3A_82 = tpu.vector_load %arg6[%get3A_81] {strides = array<i32>} : memref<1024xf32, #tpu.memory_space<vmem>>, vector<16xf32>,
    %get3A_83 = vector.shape_cast %get3A_82 : vector<16xf32> to vector<16xf32>
    %max3A_84 = arith.constant 3.000000e-01 : f32
    %max3A_85 = vector.broadcast %max3A_84 : f32 to vector<16xf32>
    %max3A_86 = arith.maximumf %get3A_83, %max3A_85 : vector<16xf32>
    %min3A_87 = arith.constant 0.699999988 : f32
    %min3A_88 = vector.broadcast %min3A_87 : f32 to vector<16xf32>
    %min3A_89 = arith.minimumf %max3A_86, %min3A_88 : vector<16xf32>
    %swap3A_90 = arith.constant 16 : index
    %swap3A_91 = tpu.vector_load %arg6[%swap3A_90] {strides = array<i32>} : memref<1024xf32, #tpu.memory_space<vmem>>, vector<16xf32>,
    %swap3A_92 = vector.shape_cast %swap3A_91 : vector<16xf32> to vector<16xf32>
    %swap3A_93 = vector.shape_cast %min3A_89 : vector<16xf32> to vector<16xf32>
    tpu.vector_store %arg6[%swap3A_90], %swap3A_93 {strides = array<i32>} : memref<1024xf32, #tpu.memory_space<vmem>>, vector<16xf32>,
    %get3A_94 = arith.constant 32 : index
    %get3A_95 = tpu.vector_load %arg6[%get3A_94] {strides = array<i32>} : memref<1024xf32, #tpu.memory_space<vmem>>, vector<16xf32>,
    %get3A_96 = vector.shape_cast %get3A_95 : vector<16xf32> to vector<16xf32>
    %max3A_97 = arith.constant 3.000000e-01 : f32
    %max3A_98 = vector.broadcast %max3A_97 : f32 to vector<16xf32>
    %max3A_99 = arith.maximumf %get3A_96, %max3A_98 : vector<16xf32>
    %min3A_100 = arith.constant 0.699999988 : f32
    %min3A_101 = vector.broadcast %min3A_100 : f32 to vector<16xf32>
    %min3A_102 = arith.minimumf %max3A_99, %min3A_101 : vector<16xf32>
    %swap3A_103 = arith.constant 32 : index
    %swap3A_104 = tpu.vector_load %arg6[%swap3A_103] {strides = array<i32>} : memref<1024xf32, #tpu.memory_space<vmem>>, vector<16xf32>,
    %swap3A_105 = vector.shape_cast %swap3A_104 : vector<16xf32> to vector<16xf32>
    %swap3A_106 = vector.shape_cast %min3A_102 : vector<16xf32> to vector<16xf32>
    tpu.vector_store %arg6[%swap3A_103], %swap3A_106 {strides = array<i32>} : memref<1024xf32, #tpu.memory_space<vmem>>, vector<16xf32>,
    %get3A_107 = arith.constant 48 : index
    %get3A_108 = tpu.vector_load %arg6[%get3A_107] {strides = array<i32>} : memref<1024xf32, #tpu.memory_space<vmem>>, vector<16xf32>,
    %get3A_109 = vector.shape_cast %get3A_108 : vector<16xf32> to vector<16xf32>
    %max3A_110 = arith.constant 3.000000e-01 : f32
    %max3A_111 = vector.broadcast %max3A_110 : f32 to vector<16xf32>
    %max3A_112 = arith.maximumf %get3A_109, %max3A_111 : vector<16xf32>
    %min3A_113 = arith.constant 0.699999988 : f32
    %min3A_114 = vector.broadcast %min3A_113 : f32 to vector<16xf32>
    %min3A_115 = arith.minimumf %max3A_112, %min3A_114 : vector<16xf32>
    %swap3A_116 = arith.constant 48 : index
    %swap3A_117 = tpu.vector_load %arg6[%swap3A_116] {strides = array<i32>} : memref<1024xf32, #tpu.memory_space<vmem>>, vector<16xf32>,
    %swap3A_118 = vector.shape_cast %swap3A_117 : vector<16xf32> to vector<16xf32>
    %swap3A_119 = vector.shape_cast %min3A_115 : vector<16xf32> to vector<16xf32>
    tpu.vector_store %arg6[%swap3A_116], %swap3A_119 {strides = array<i32>} : memref<1024xf32, #tpu.memory_space<vmem>>, vector<16xf32>,
    %get3A_120 = arith.constant 64 : index
    %get3A_121 = tpu.vector_load %arg6[%get3A_120] {strides = array<i32>} : memref<1024xf32, #tpu.memory_space<vmem>>, vector<16xf32>,
    %get3A_122 = vector.shape_cast %get3A_121 : vector<16xf32> to vector<16xf32>
    %max3A_123 = arith.constant 3.000000e-01 : f32
    %max3A_124 = vector.broadcast %max3A_123 : f32 to vector<16xf32>
    %max3A_125 = arith.maximumf %get3A_122, %max3A_124 : vector<16xf32>
    %min3A_126 = arith.constant 0.699999988 : f32
    %min3A_127 = vector.broadcast %min3A_126 : f32 to vector<16xf32>
    %min3A_128 = arith.minimumf %max3A_125, %min3A_127 : vector<16xf32>
    %swap3A_129 = arith.constant 64 : index
    %swap3A_130 = tpu.vector_load %arg6[%swap3A_129] {strides = array<i32>} : memref<1024xf32, #tpu.memory_space<vmem>>, vector<16xf32>,
    %swap3A_131 = vector.shape_cast %swap3A_130 : vector<16xf32> to vector<16xf32>
    %swap3A_132 = vector.shape_cast %min3A_128 : vector<16xf32> to vector<16xf32>
    tpu.vector_store %arg6[%swap3A_129], %swap3A_132 {strides = array<i32>} : memref<1024xf32, #tpu.memory_space<vmem>>, vector<16xf32>,
    %get3A_133 = arith.constant 80 : index
    %get3A_134 = tpu.vector_load %arg6[%get3A_133] {strides = array<i32>} : memref<1024xf32, #tpu.memory_space<vmem>>, vector<16xf32>,
    %get3A_135 = vector.shape_cast %get3A_134 : vector<16xf32> to vector<16xf32>
    %max3A_136 = arith.constant 3.000000e-01 : f32
    %max3A_137 = vector.broadcast %max3A_136 : f32 to vector<16xf32>
    %max3A_138 = arith.maximumf %get3A_135, %max3A_137 : vector<16xf32>
    %min3A_139 = arith.constant 0.699999988 : f32
    %min3A_140 = vector.broadcast %min3A_139 : f32 to vector<16xf32>
    %min3A_141 = arith.minimumf %max3A_138, %min3A_140 : vector<16xf32>
    %swap3A_142 = arith.constant 80 : index
    %swap3A_143 = tpu.vector_load %arg6[%swap3A_142] {strides = array<i32>} : memref<1024xf32, #tpu.memory_space<vmem>>, vector<16xf32>,
    %swap3A_144 = vector.shape_cast %swap3A_143 : vector<16xf32> to vector<16xf32>
    %swap3A_145 = vector.shape_cast %min3A_141 : vector<16xf32> to vector<16xf32>
    tpu.vector_store %arg6[%swap3A_142], %swap3A_145 {strides = array<i32>} : memref<1024xf32, #tpu.memory_space<vmem>>, vector<16xf32>,
    %get3A_146 = arith.constant 96 : index
    %get3A_147 = tpu.vector_load %arg6[%get3A_146] {strides = array<i32>} : memref<1024xf32, #tpu.memory_space<vmem>>, vector<16xf32>,
    %get3A_148 = vector.shape_cast %get3A_147 : vector<16xf32> to vector<16xf32>
    %max3A_149 = arith.constant 3.000000e-01 : f32
    %max3A_150 = vector.broadcast %max3A_149 : f32 to vector<16xf32>
    %max3A_151 = arith.maximumf %get3A_148, %max3A_150 : vector<16xf32>
    %min3A_152 = arith.constant 0.699999988 : f32
    %min3A_153 = vector.broadcast %min3A_152 : f32 to vector<16xf32>
    %min3A_154 = arith.minimumf %max3A_151, %min3A_153 : vector<16xf32>
    %swap3A_155 = arith.constant 96 : index
    %swap3A_156 = tpu.vector_load %arg6[%swap3A_155] {strides = array<i32>} : memref<1024xf32, #tpu.memory_space<vmem>>, vector<16xf32>,
    %swap3A_157 = vector.shape_cast %swap3A_156 : vector<16xf32> to vector<16xf32>
    %swap3A_158 = vector.shape_cast %min3A_154 : vector<16xf32> to vector<16xf32>
    tpu.vector_store %arg6[%swap3A_155], %swap3A_158 {strides = array<i32>} : memref<1024xf32, #tpu.memory_space<vmem>>, vector<16xf32>,
    %get3A_159 = arith.constant 112 : index
    %get3A_160 = tpu.vector_load %arg6[%get3A_159] {strides = array<i32>} : memref<1024xf32, #tpu.memory_space<vmem>>, vector<16xf32>,
    %get3A_161 = vector.shape_cast %get3A_160 : vector<16xf32> to vector<16xf32>
    %max3A_162 = arith.constant 3.000000e-01 : f32
    %max3A_163 = vector.broadcast %max3A_162 : f32 to vector<16xf32>
    %max3A_164 = arith.maximumf %get3A_161, %max3A_163 : vector<16xf32>
    %min3A_165 = arith.constant 0.699999988 : f32
    %min3A_166 = vector.broadcast %min3A_165 : f32 to vector<16xf32>
    %min3A_167 = arith.minimumf %max3A_164, %min3A_166 : vector<16xf32>
    %swap3A_168 = arith.constant 112 : index
    %swap3A_169 = tpu.vector_load %arg6[%swap3A_168] {strides = array<i32>} : memref<1024xf32, #tpu.memory_space<vmem>>, vector<16xf32>,
    %swap3A_170 = vector.shape_cast %swap3A_169 : vector<16xf32> to vector<16xf32>
    %swap3A_171 = vector.shape_cast %min3A_167 : vector<16xf32> to vector<16xf32>
    tpu.vector_store %arg6[%swap3A_168], %swap3A_171 {strides = array<i32>} : memref<1024xf32, #tpu.memory_space<vmem>>, vector<16xf32>,
    %get3A_172 = arith.constant 128 : index
    %get3A_173 = tpu.vector_load %arg6[%get3A_172] {strides = array<i32>} : memref<1024xf32, #tpu.memory_space<vmem>>, vector<16xf32>,
    %get3A_174 = vector.shape_cast %get3A_173 : vector<16xf32> to vector<16xf32>
    %max3A_175 = arith.constant 3.000000e-01 : f32
    %max3A_176 = vector.broadcast %max3A_175 : f32 to vector<16xf32>
    %max3A_177 = arith.maximumf %get3A_174, %max3A_176 : vector<16xf32>
    %min3A_178 = arith.constant 0.699999988 : f32
    %min3A_179 = vector.broadcast %min3A_178 : f32 to vector<16xf32>
    %min3A_180 = arith.minimumf %max3A_177, %min3A_179 : vector<16xf32>
    %swap3A_181 = arith.constant 128 : index
    %swap3A_182 = tpu.vector_load %arg6[%swap3A_181] {strides = array<i32>} : memref<1024xf32, #tpu.memory_space<vmem>>, vector<16xf32>,
    %swap3A_183 = vector.shape_cast %swap3A_182 : vector<16xf32> to vector<16xf32>
    %swap3A_184 = vector.shape_cast %min3A_180 : vector<16xf32> to vector<16xf32>
    tpu.vector_store %arg6[%swap3A_181], %swap3A_184 {strides = array<i32>} : memref<1024xf32, #tpu.memory_space<vmem>>, vector<16xf32>,
    %get3A_185 = arith.constant 144 : index
    %get3A_186 = tpu.vector_load %arg6[%get3A_185] {strides = array<i32>} : memref<1024xf32, #tpu.memory_space<vmem>>, vector<16xf32>,
    %get3A_187 = vector.shape_cast %get3A_186 : vector<16xf32> to vector<16xf32>
    %max3A_188 = arith.constant 3.000000e-01 : f32
    %max3A_189 = vector.broadcast %max3A_188 : f32 to vector<16xf32>
    %max3A_190 = arith.maximumf %get3A_187, %max3A_189 : vector<16xf32>
    %min3A_191 = arith.constant 0.699999988 : f32
    %min3A_192 = vector.broadcast %min3A_191 : f32 to vector<16xf32>
    %min3A_193 = arith.minimumf %max3A_190, %min3A_192 : vector<16xf32>
    %swap3A_194 = arith.constant 144 : index
    %swap3A_195 = tpu.vector_load %arg6[%swap3A_194] {strides = array<i32>} : memref<1024xf32, #tpu.memory_space<vmem>>, vector<16xf32>,
    %swap3A_196 = vector.shape_cast %swap3A_195 : vector<16xf32> to vector<16xf32>
    %swap3A_197 = vector.shape_cast %min3A_193 : vector<16xf32> to vector<16xf32>
    tpu.vector_store %arg6[%swap3A_194], %swap3A_197 {strides = array<i32>} : memref<1024xf32, #tpu.memory_space<vmem>>, vector<16xf32>,
    %get3A_198 = arith.constant 160 : index
    %get3A_199 = tpu.vector_load %arg6[%get3A_198] {strides = array<i32>} : memref<1024xf32, #tpu.memory_space<vmem>>, vector<16xf32>,
    %get3A_200 = vector.shape_cast %get3A_199 : vector<16xf32> to vector<16xf32>
    %max3A_201 = arith.constant 3.000000e-01 : f32
    %max3A_202 = vector.broadcast %max3A_201 : f32 to vector<16xf32>
    %max3A_203 = arith.maximumf %get3A_200, %max3A_202 : vector<16xf32>
    %min3A_204 = arith.constant 0.699999988 : f32
    %min3A_205 = vector.broadcast %min3A_204 : f32 to vector<16xf32>
    %min3A_206 = arith.minimumf %max3A_203, %min3A_205 : vector<16xf32>
    %swap3A_207 = arith.constant 160 : index
    %swap3A_208 = tpu.vector_load %arg6[%swap3A_207] {strides = array<i32>} : memref<1024xf32, #tpu.memory_space<vmem>>, vector<16xf32>,
    %swap3A_209 = vector.shape_cast %swap3A_208 : vector<16xf32> to vector<16xf32>
    %swap3A_210 = vector.shape_cast %min3A_206 : vector<16xf32> to vector<16xf32>
    tpu.vector_store %arg6[%swap3A_207], %swap3A_210 {strides = array<i32>} : memref<1024xf32, #tpu.memory_space<vmem>>, vector<16xf32>,
    %get3A_211 = arith.constant 176 : index
    %get3A_212 = tpu.vector_load %arg6[%get3A_211] {strides = array<i32>} : memref<1024xf32, #tpu.memory_space<vmem>>, vector<16xf32>,
    %get3A_213 = vector.shape_cast %get3A_212 : vector<16xf32> to vector<16xf32>
    %max3A_214 = arith.constant 3.000000e-01 : f32
    %max3A_215 = vector.broadcast %max3A_214 : f32 to vector<16xf32>
    %max3A_216 = arith.maximumf %get3A_213, %max3A_215 : vector<16xf32>
    %min3A_217 = arith.constant 0.699999988 : f32
    %min3A_218 = vector.broadcast %min3A_217 : f32 to vector<16xf32>
    %min3A_219 = arith.minimumf %max3A_216, %min3A_218 : vector<16xf32>
    %swap3A_220 = arith.constant 176 : index
    %swap3A_221 = tpu.vector_load %arg6[%swap3A_220] {strides = array<i32>} : memref<1024xf32, #tpu.memory_space<vmem>>, vector<16xf32>,
    %swap3A_222 = vector.shape_cast %swap3A_221 : vector<16xf32> to vector<16xf32>
    %swap3A_223 = vector.shape_cast %min3A_219 : vector<16xf32> to vector<16xf32>
    tpu.vector_store %arg6[%swap3A_220], %swap3A_223 {strides = array<i32>} : memref<1024xf32, #tpu.memory_space<vmem>>, vector<16xf32>,
    %get3A_224 = arith.constant 192 : index
    %get3A_225 = tpu.vector_load %arg6[%get3A_224] {strides = array<i32>} : memref<1024xf32, #tpu.memory_space<vmem>>, vector<16xf32>,
    %get3A_226 = vector.shape_cast %get3A_225 : vector<16xf32> to vector<16xf32>
    %max3A_227 = arith.constant 3.000000e-01 : f32
    %max3A_228 = vector.broadcast %max3A_227 : f32 to vector<16xf32>
    %max3A_229 = arith.maximumf %get3A_226, %max3A_228 : vector<16xf32>
    %min3A_230 = arith.constant 0.699999988 : f32
    %min3A_231 = vector.broadcast %min3A_230 : f32 to vector<16xf32>
    %min3A_232 = arith.minimumf %max3A_229, %min3A_231 : vector<16xf32>
    %swap3A_233 = arith.constant 192 : index
    %swap3A_234 = tpu.vector_load %arg6[%swap3A_233] {strides = array<i32>} : memref<1024xf32, #tpu.memory_space<vmem>>, vector<16xf32>,
    %swap3A_235 = vector.shape_cast %swap3A_234 : vector<16xf32> to vector<16xf32>
    %swap3A_236 = vector.shape_cast %min3A_232 : vector<16xf32> to vector<16xf32>
    tpu.vector_store %arg6[%swap3A_233], %swap3A_236 {strides = array<i32>} : memref<1024xf32, #tpu.memory_space<vmem>>, vector<16xf32>,
    %get3A_237 = arith.constant 208 : index
    %get3A_238 = tpu.vector_load %arg6[%get3A_237] {strides = array<i32>} : memref<1024xf32, #tpu.memory_space<vmem>>, vector<16xf32>,
    %get3A_239 = vector.shape_cast %get3A_238 : vector<16xf32> to vector<16xf32>
    %max3A_240 = arith.constant 3.000000e-01 : f32
    %max3A_241 = vector.broadcast %max3A_240 : f32 to vector<16xf32>
    %max3A_242 = arith.maximumf %get3A_239, %max3A_241 : vector<16xf32>
    %min3A_243 = arith.constant 0.699999988 : f32
    %min3A_244 = vector.broadcast %min3A_243 : f32 to vector<16xf32>
    %min3A_245 = arith.minimumf %max3A_242, %min3A_244 : vector<16xf32>
    %swap3A_246 = arith.constant 208 : index
    %swap3A_247 = tpu.vector_load %arg6[%swap3A_246] {strides = array<i32>} : memref<1024xf32, #tpu.memory_space<vmem>>, vector<16xf32>,
    %swap3A_248 = vector.shape_cast %swap3A_247 : vector<16xf32> to vector<16xf32>
    %swap3A_249 = vector.shape_cast %min3A_245 : vector<16xf32> to vector<16xf32>
    tpu.vector_store %arg6[%swap3A_246], %swap3A_249 {strides = array<i32>} : memref<1024xf32, #tpu.memory_space<vmem>>, vector<16xf32>,
    %get3A_250 = arith.constant 224 : index
    %get3A_251 = tpu.vector_load %arg6[%get3A_250] {strides = array<i32>} : memref<1024xf32, #tpu.memory_space<vmem>>, vector<16xf32>,
    %get3A_252 = vector.shape_cast %get3A_251 : vector<16xf32> to vector<16xf32>
    %max3A_253 = arith.constant 3.000000e-01 : f32
    %max3A_254 = vector.broadcast %max3A_253 : f32 to vector<16xf32>
    %max3A_255 = arith.maximumf %get3A_252, %max3A_254 : vector<16xf32>
    %min3A_256 = arith.constant 0.699999988 : f32
    %min3A_257 = vector.broadcast %min3A_256 : f32 to vector<16xf32>
    %min3A_258 = arith.minimumf %max3A_255, %min3A_257 : vector<16xf32>
    %swap3A_259 = arith.constant 224 : index
    %swap3A_260 = tpu.vector_load %arg6[%swap3A_259] {strides = array<i32>} : memref<1024xf32, #tpu.memory_space<vmem>>, vector<16xf32>,
    %swap3A_261 = vector.shape_cast %swap3A_260 : vector<16xf32> to vector<16xf32>
    %swap3A_262 = vector.shape_cast %min3A_258 : vector<16xf32> to vector<16xf32>
    tpu.vector_store %arg6[%swap3A_259], %swap3A_262 {strides = array<i32>} : memref<1024xf32, #tpu.memory_space<vmem>>, vector<16xf32>,
    %get3A_263 = arith.constant 240 : index
    %get3A_264 = tpu.vector_load %arg6[%get3A_263] {strides = array<i32>} : memref<1024xf32, #tpu.memory_space<vmem>>, vector<16xf32>,
    %get3A_265 = vector.shape_cast %get3A_264 : vector<16xf32> to vector<16xf32>
    %max3A_266 = arith.constant 3.000000e-01 : f32
    %max3A_267 = vector.broadcast %max3A_266 : f32 to vector<16xf32>
    %max3A_268 = arith.maximumf %get3A_265, %max3A_267 : vector<16xf32>
    %min3A_269 = arith.constant 0.699999988 : f32
    %min3A_270 = vector.broadcast %min3A_269 : f32 to vector<16xf32>
    %min3A_271 = arith.minimumf %max3A_268, %min3A_270 : vector<16xf32>
    %swap3A_272 = arith.constant 240 : index
    %swap3A_273 = tpu.vector_load %arg6[%swap3A_272] {strides = array<i32>} : memref<1024xf32, #tpu.memory_space<vmem>>, vector<16xf32>,
    %swap3A_274 = vector.shape_cast %swap3A_273 : vector<16xf32> to vector<16xf32>
    %swap3A_275 = vector.shape_cast %min3A_271 : vector<16xf32> to vector<16xf32>
    tpu.vector_store %arg6[%swap3A_272], %swap3A_275 {strides = array<i32>} : memref<1024xf32, #tpu.memory_space<vmem>>, vector<16xf32>,
    %get3A_276 = arith.constant 256 : index
    %get3A_277 = tpu.vector_load %arg6[%get3A_276] {strides = array<i32>} : memref<1024xf32, #tpu.memory_space<vmem>>, vector<16xf32>,
    %get3A_278 = vector.shape_cast %get3A_277 : vector<16xf32> to vector<16xf32>
    %max3A_279 = arith.constant 3.000000e-01 : f32
    %max3A_280 = vector.broadcast %max3A_279 : f32 to vector<16xf32>
    %max3A_281 = arith.maximumf %get3A_278, %max3A_280 : vector<16xf32>
    %min3A_282 = arith.constant 0.699999988 : f32
    %min3A_283 = vector.broadcast %min3A_282 : f32 to vector<16xf32>
    %min3A_284 = arith.minimumf %max3A_281, %min3A_283 : vector<16xf32>
    %swap3A_285 = arith.constant 256 : index
    %swap3A_286 = tpu.vector_load %arg6[%swap3A_285] {strides = array<i32>} : memref<1024xf32, #tpu.memory_space<vmem>>, vector<16xf32>,
    %swap3A_287 = vector.shape_cast %swap3A_286 : vector<16xf32> to vector<16xf32>
    %swap3A_288 = vector.shape_cast %min3A_284 : vector<16xf32> to vector<16xf32>
    tpu.vector_store %arg6[%swap3A_285], %swap3A_288 {strides = array<i32>} : memref<1024xf32, #tpu.memory_space<vmem>>, vector<16xf32>,
    %get3A_289 = arith.constant 272 : index
    %get3A_290 = tpu.vector_load %arg6[%get3A_289] {strides = array<i32>} : memref<1024xf32, #tpu.memory_space<vmem>>, vector<16xf32>,
    %get3A_291 = vector.shape_cast %get3A_290 : vector<16xf32> to vector<16xf32>
    %max3A_292 = arith.constant 3.000000e-01 : f32
    %max3A_293 = vector.broadcast %max3A_292 : f32 to vector<16xf32>
    %max3A_294 = arith.maximumf %get3A_291, %max3A_293 : vector<16xf32>
    %min3A_295 = arith.constant 0.699999988 : f32
    %min3A_296 = vector.broadcast %min3A_295 : f32 to vector<16xf32>
    %min3A_297 = arith.minimumf %max3A_294, %min3A_296 : vector<16xf32>
    %swap3A_298 = arith.constant 272 : index
    %swap3A_299 = tpu.vector_load %arg6[%swap3A_298] {strides = array<i32>} : memref<1024xf32, #tpu.memory_space<vmem>>, vector<16xf32>,
    %swap3A_300 = vector.shape_cast %swap3A_299 : vector<16xf32> to vector<16xf32>
    %swap3A_301 = vector.shape_cast %min3A_297 : vector<16xf32> to vector<16xf32>
    tpu.vector_store %arg6[%swap3A_298], %swap3A_301 {strides = array<i32>} : memref<1024xf32, #tpu.memory_space<vmem>>, vector<16xf32>,
    %get3A_302 = arith.constant 288 : index
    %get3A_303 = tpu.vector_load %arg6[%get3A_302] {strides = array<i32>} : memref<1024xf32, #tpu.memory_space<vmem>>, vector<16xf32>,
    %get3A_304 = vector.shape_cast %get3A_303 : vector<16xf32> to vector<16xf32>
    %max3A_305 = arith.constant 3.000000e-01 : f32
    %max3A_306 = vector.broadcast %max3A_305 : f32 to vector<16xf32>
    %max3A_307 = arith.maximumf %get3A_304, %max3A_306 : vector<16xf32>
    %min3A_308 = arith.constant 0.699999988 : f32
    %min3A_309 = vector.broadcast %min3A_308 : f32 to vector<16xf32>
    %min3A_310 = arith.minimumf %max3A_307, %min3A_309 : vector<16xf32>
    %swap3A_311 = arith.constant 288 : index
    %swap3A_312 = tpu.vector_load %arg6[%swap3A_311] {strides = array<i32>} : memref<1024xf32, #tpu.memory_space<vmem>>, vector<16xf32>,
    %swap3A_313 = vector.shape_cast %swap3A_312 : vector<16xf32> to vector<16xf32>
    %swap3A_314 = vector.shape_cast %min3A_310 : vector<16xf32> to vector<16xf32>
    tpu.vector_store %arg6[%swap3A_311], %swap3A_314 {strides = array<i32>} : memref<1024xf32, #tpu.memory_space<vmem>>, vector<16xf32>,
    %get3A_315 = arith.constant 304 : index
    %get3A_316 = tpu.vector_load %arg6[%get3A_315] {strides = array<i32>} : memref<1024xf32, #tpu.memory_space<vmem>>, vector<16xf32>,
    %get3A_317 = vector.shape_cast %get3A_316 : vector<16xf32> to vector<16xf32>
    %max3A_318 = arith.constant 3.000000e-01 : f32
    %max3A_319 = vector.broadcast %max3A_318 : f32 to vector<16xf32>
    %max3A_320 = arith.maximumf %get3A_317, %max3A_319 : vector<16xf32>
    %min3A_321 = arith.constant 0.699999988 : f32
    %min3A_322 = vector.broadcast %min3A_321 : f32 to vector<16xf32>
    %min3A_323 = arith.minimumf %max3A_320, %min3A_322 : vector<16xf32>
    %swap3A_324 = arith.constant 304 : index
    %swap3A_325 = tpu.vector_load %arg6[%swap3A_324] {strides = array<i32>} : memref<1024xf32, #tpu.memory_space<vmem>>, vector<16xf32>,
    %swap3A_326 = vector.shape_cast %swap3A_325 : vector<16xf32> to vector<16xf32>
    %swap3A_327 = vector.shape_cast %min3A_323 : vector<16xf32> to vector<16xf32>
    tpu.vector_store %arg6[%swap3A_324], %swap3A_327 {strides = array<i32>} : memref<1024xf32, #tpu.memory_space<vmem>>, vector<16xf32>,
    %get3A_328 = arith.constant 320 : index
    %get3A_329 = tpu.vector_load %arg6[%get3A_328] {strides = array<i32>} : memref<1024xf32, #tpu.memory_space<vmem>>, vector<16xf32>,
    %get3A_330 = vector.shape_cast %get3A_329 : vector<16xf32> to vector<16xf32>
    %max3A_331 = arith.constant 3.000000e-01 : f32
    %max3A_332 = vector.broadcast %max3A_331 : f32 to vector<16xf32>
    %max3A_333 = arith.maximumf %get3A_330, %max3A_332 : vector<16xf32>
    %min3A_334 = arith.constant 0.699999988 : f32
    %min3A_335 = vector.broadcast %min3A_334 : f32 to vector<16xf32>
    %min3A_336 = arith.minimumf %max3A_333, %min3A_335 : vector<16xf32>
    %swap3A_337 = arith.constant 320 : index
    %swap3A_338 = tpu.vector_load %arg6[%swap3A_337] {strides = array<i32>} : memref<1024xf32, #tpu.memory_space<vmem>>, vector<16xf32>,
    %swap3A_339 = vector.shape_cast %swap3A_338 : vector<16xf32> to vector<16xf32>
    %swap3A_340 = vector.shape_cast %min3A_336 : vector<16xf32> to vector<16xf32>
    tpu.vector_store %arg6[%swap3A_337], %swap3A_340 {strides = array<i32>} : memref<1024xf32, #tpu.memory_space<vmem>>, vector<16xf32>,
    %get3A_341 = arith.constant 336 : index
    %get3A_342 = tpu.vector_load %arg6[%get3A_341] {strides = array<i32>} : memref<1024xf32, #tpu.memory_space<vmem>>, vector<16xf32>,
    %get3A_343 = vector.shape_cast %get3A_342 : vector<16xf32> to vector<16xf32>
    %max3A_344 = arith.constant 3.000000e-01 : f32
    %max3A_345 = vector.broadcast %max3A_344 : f32 to vector<16xf32>
    %max3A_346 = arith.maximumf %get3A_343, %max3A_345 : vector<16xf32>
    %min3A_347 = arith.constant 0.699999988 : f32
    %min3A_348 = vector.broadcast %min3A_347 : f32 to vector<16xf32>
    %min3A_349 = arith.minimumf %max3A_346, %min3A_348 : vector<16xf32>
    %swap3A_350 = arith.constant 336 : index
    %swap3A_351 = tpu.vector_load %arg6[%swap3A_350] {strides = array<i32>} : memref<1024xf32, #tpu.memory_space<vmem>>, vector<16xf32>,
    %swap3A_352 = vector.shape_cast %swap3A_351 : vector<16xf32> to vector<16xf32>
    %swap3A_353 = vector.shape_cast %min3A_349 : vector<16xf32> to vector<16xf32>
    tpu.vector_store %arg6[%swap3A_350], %swap3A_353 {strides = array<i32>} : memref<1024xf32, #tpu.memory_space<vmem>>, vector<16xf32>,
    %get3A_354 = arith.constant 352 : index
    %get3A_355 = tpu.vector_load %arg6[%get3A_354] {strides = array<i32>} : memref<1024xf32, #tpu.memory_space<vmem>>, vector<16xf32>,
    %get3A_356 = vector.shape_cast %get3A_355 : vector<16xf32> to vector<16xf32>
    %max3A_357 = arith.constant 3.000000e-01 : f32
    %max3A_358 = vector.broadcast %max3A_357 : f32 to vector<16xf32>
    %max3A_359 = arith.maximumf %get3A_356, %max3A_358 : vector<16xf32>
    %min3A_360 = arith.constant 0.699999988 : f32
    %min3A_361 = vector.broadcast %min3A_360 : f32 to vector<16xf32>
    %min3A_362 = arith.minimumf %max3A_359, %min3A_361 : vector<16xf32>
    %swap3A_363 = arith.constant 352 : index
    %swap3A_364 = tpu.vector_load %arg6[%swap3A_363] {strides = array<i32>} : memref<1024xf32, #tpu.memory_space<vmem>>, vector<16xf32>,
    %swap3A_365 = vector.shape_cast %swap3A_364 : vector<16xf32> to vector<16xf32>
    %swap3A_366 = vector.shape_cast %min3A_362 : vector<16xf32> to vector<16xf32>
    tpu.vector_store %arg6[%swap3A_363], %swap3A_366 {strides = array<i32>} : memref<1024xf32, #tpu.memory_space<vmem>>, vector<16xf32>,
    %get3A_367 = arith.constant 368 : index
    %get3A_368 = tpu.vector_load %arg6[%get3A_367] {strides = array<i32>} : memref<1024xf32, #tpu.memory_space<vmem>>, vector<16xf32>,
    %get3A_369 = vector.shape_cast %get3A_368 : vector<16xf32> to vector<16xf32>
    %max3A_370 = arith.constant 3.000000e-01 : f32
    %max3A_371 = vector.broadcast %max3A_370 : f32 to vector<16xf32>
    %max3A_372 = arith.maximumf %get3A_369, %max3A_371 : vector<16xf32>
    %min3A_373 = arith.constant 0.699999988 : f32
    %min3A_374 = vector.broadcast %min3A_373 : f32 to vector<16xf32>
    %min3A_375 = arith.minimumf %max3A_372, %min3A_374 : vector<16xf32>
    %swap3A_376 = arith.constant 368 : index
    %swap3A_377 = tpu.vector_load %arg6[%swap3A_376] {strides = array<i32>} : memref<1024xf32, #tpu.memory_space<vmem>>, vector<16xf32>,
    %swap3A_378 = vector.shape_cast %swap3A_377 : vector<16xf32> to vector<16xf32>
    %swap3A_379 = vector.shape_cast %min3A_375 : vector<16xf32> to vector<16xf32>
    tpu.vector_store %arg6[%swap3A_376], %swap3A_379 {strides = array<i32>} : memref<1024xf32, #tpu.memory_space<vmem>>, vector<16xf32>,
    %get3A_380 = arith.constant 384 : index
    %get3A_381 = tpu.vector_load %arg6[%get3A_380] {strides = array<i32>} : memref<1024xf32, #tpu.memory_space<vmem>>, vector<16xf32>,
    %get3A_382 = vector.shape_cast %get3A_381 : vector<16xf32> to vector<16xf32>
    %max3A_383 = arith.constant 3.000000e-01 : f32
    %max3A_384 = vector.broadcast %max3A_383 : f32 to vector<16xf32>
    %max3A_385 = arith.maximumf %get3A_382, %max3A_384 : vector<16xf32>
    %min3A_386 = arith.constant 0.699999988 : f32
    %min3A_387 = vector.broadcast %min3A_386 : f32 to vector<16xf32>
    %min3A_388 = arith.minimumf %max3A_385, %min3A_387 : vector<16xf32>
    %swap3A_389 = arith.constant 384 : index
    %swap3A_390 = tpu.vector_load %arg6[%swap3A_389] {strides = array<i32>} : memref<1024xf32, #tpu.memory_space<vmem>>, vector<16xf32>,
    %swap3A_391 = vector.shape_cast %swap3A_390 : vector<16xf32> to vector<16xf32>
    %swap3A_392 = vector.shape_cast %min3A_388 : vector<16xf32> to vector<16xf32>
    tpu.vector_store %arg6[%swap3A_389], %swap3A_392 {strides = array<i32>} : memref<1024xf32, #tpu.memory_space<vmem>>, vector<16xf32>,
    %get3A_393 = arith.constant 400 : index
    %get3A_394 = tpu.vector_load %arg6[%get3A_393] {strides = array<i32>} : memref<1024xf32, #tpu.memory_space<vmem>>, vector<16xf32>,
    %get3A_395 = vector.shape_cast %get3A_394 : vector<16xf32> to vector<16xf32>
    %max3A_396 = arith.constant 3.000000e-01 : f32
    %max3A_397 = vector.broadcast %max3A_396 : f32 to vector<16xf32>
    %max3A_398 = arith.maximumf %get3A_395, %max3A_397 : vector<16xf32>
    %min3A_399 = arith.constant 0.699999988 : f32
    %min3A_400 = vector.broadcast %min3A_399 : f32 to vector<16xf32>
    %min3A_401 = arith.minimumf %max3A_398, %min3A_400 : vector<16xf32>
    %swap3A_402 = arith.constant 400 : index
    %swap3A_403 = tpu.vector_load %arg6[%swap3A_402] {strides = array<i32>} : memref<1024xf32, #tpu.memory_space<vmem>>, vector<16xf32>,
    %swap3A_404 = vector.shape_cast %swap3A_403 : vector<16xf32> to vector<16xf32>
    %swap3A_405 = vector.shape_cast %min3A_401 : vector<16xf32> to vector<16xf32>
    tpu.vector_store %arg6[%swap3A_402], %swap3A_405 {strides = array<i32>} : memref<1024xf32, #tpu.memory_space<vmem>>, vector<16xf32>,
    %get3A_406 = arith.constant 416 : index
    %get3A_407 = tpu.vector_load %arg6[%get3A_406] {strides = array<i32>} : memref<1024xf32, #tpu.memory_space<vmem>>, vector<16xf32>,
    %get3A_408 = vector.shape_cast %get3A_407 : vector<16xf32> to vector<16xf32>
    %max3A_409 = arith.constant 3.000000e-01 : f32
    %max3A_410 = vector.broadcast %max3A_409 : f32 to vector<16xf32>
    %max3A_411 = arith.maximumf %get3A_408, %max3A_410 : vector<16xf32>
    %min3A_412 = arith.constant 0.699999988 : f32
    %min3A_413 = vector.broadcast %min3A_412 : f32 to vector<16xf32>
    %min3A_414 = arith.minimumf %max3A_411, %min3A_413 : vector<16xf32>
    %swap3A_415 = arith.constant 416 : index
    %swap3A_416 = tpu.vector_load %arg6[%swap3A_415] {strides = array<i32>} : memref<1024xf32, #tpu.memory_space<vmem>>, vector<16xf32>,
    %swap3A_417 = vector.shape_cast %swap3A_416 : vector<16xf32> to vector<16xf32>
    %swap3A_418 = vector.shape_cast %min3A_414 : vector<16xf32> to vector<16xf32>
    tpu.vector_store %arg6[%swap3A_415], %swap3A_418 {strides = array<i32>} : memref<1024xf32, #tpu.memory_space<vmem>>, vector<16xf32>,
    %get3A_419 = arith.constant 432 : index
    %get3A_420 = tpu.vector_load %arg6[%get3A_419] {strides = array<i32>} : memref<1024xf32, #tpu.memory_space<vmem>>, vector<16xf32>,
    %get3A_421 = vector.shape_cast %get3A_420 : vector<16xf32> to vector<16xf32>
    %max3A_422 = arith.constant 3.000000e-01 : f32
    %max3A_423 = vector.broadcast %max3A_422 : f32 to vector<16xf32>
    %max3A_424 = arith.maximumf %get3A_421, %max3A_423 : vector<16xf32>
    %min3A_425 = arith.constant 0.699999988 : f32
    %min3A_426 = vector.broadcast %min3A_425 : f32 to vector<16xf32>
    %min3A_427 = arith.minimumf %max3A_424, %min3A_426 : vector<16xf32>
    %swap3A_428 = arith.constant 432 : index
    %swap3A_429 = tpu.vector_load %arg6[%swap3A_428] {strides = array<i32>} : memref<1024xf32, #tpu.memory_space<vmem>>, vector<16xf32>,
    %swap3A_430 = vector.shape_cast %swap3A_429 : vector<16xf32> to vector<16xf32>
    %swap3A_431 = vector.shape_cast %min3A_427 : vector<16xf32> to vector<16xf32>
    tpu.vector_store %arg6[%swap3A_428], %swap3A_431 {strides = array<i32>} : memref<1024xf32, #tpu.memory_space<vmem>>, vector<16xf32>,
    %get3A_432 = arith.constant 448 : index
    %get3A_433 = tpu.vector_load %arg6[%get3A_432] {strides = array<i32>} : memref<1024xf32, #tpu.memory_space<vmem>>, vector<16xf32>,
    %get3A_434 = vector.shape_cast %get3A_433 : vector<16xf32> to vector<16xf32>
    %max3A_435 = arith.constant 3.000000e-01 : f32
    %max3A_436 = vector.broadcast %max3A_435 : f32 to vector<16xf32>
    %max3A_437 = arith.maximumf %get3A_434, %max3A_436 : vector<16xf32>
    %min3A_438 = arith.constant 0.699999988 : f32
    %min3A_439 = vector.broadcast %min3A_438 : f32 to vector<16xf32>
    %min3A_440 = arith.minimumf %max3A_437, %min3A_439 : vector<16xf32>
    %swap3A_441 = arith.constant 448 : index
    %swap3A_442 = tpu.vector_load %arg6[%swap3A_441] {strides = array<i32>} : memref<1024xf32, #tpu.memory_space<vmem>>, vector<16xf32>,
    %swap3A_443 = vector.shape_cast %swap3A_442 : vector<16xf32> to vector<16xf32>
    %swap3A_444 = vector.shape_cast %min3A_440 : vector<16xf32> to vector<16xf32>
    tpu.vector_store %arg6[%swap3A_441], %swap3A_444 {strides = array<i32>} : memref<1024xf32, #tpu.memory_space<vmem>>, vector<16xf32>,
    %get3A_445 = arith.constant 464 : index
    %get3A_446 = tpu.vector_load %arg6[%get3A_445] {strides = array<i32>} : memref<1024xf32, #tpu.memory_space<vmem>>, vector<16xf32>,
    %get3A_447 = vector.shape_cast %get3A_446 : vector<16xf32> to vector<16xf32>
    %max3A_448 = arith.constant 3.000000e-01 : f32
    %max3A_449 = vector.broadcast %max3A_448 : f32 to vector<16xf32>
    %max3A_450 = arith.maximumf %get3A_447, %max3A_449 : vector<16xf32>
    %min3A_451 = arith.constant 0.699999988 : f32
    %min3A_452 = vector.broadcast %min3A_451 : f32 to vector<16xf32>
    %min3A_453 = arith.minimumf %max3A_450, %min3A_452 : vector<16xf32>
    %swap3A_454 = arith.constant 464 : index
    %swap3A_455 = tpu.vector_load %arg6[%swap3A_454] {strides = array<i32>} : memref<1024xf32, #tpu.memory_space<vmem>>, vector<16xf32>,
    %swap3A_456 = vector.shape_cast %swap3A_455 : vector<16xf32> to vector<16xf32>
    %swap3A_457 = vector.shape_cast %min3A_453 : vector<16xf32> to vector<16xf32>
    tpu.vector_store %arg6[%swap3A_454], %swap3A_457 {strides = array<i32>} : memref<1024xf32, #tpu.memory_space<vmem>>, vector<16xf32>,
    %get3A_458 = arith.constant 480 : index
    %get3A_459 = tpu.vector_load %arg6[%get3A_458] {strides = array<i32>} : memref<1024xf32, #tpu.memory_space<vmem>>, vector<16xf32>,
    %get3A_460 = vector.shape_cast %get3A_459 : vector<16xf32> to vector<16xf32>
    %max3A_461 = arith.constant 3.000000e-01 : f32
    %max3A_462 = vector.broadcast %max3A_461 : f32 to vector<16xf32>
    %max3A_463 = arith.maximumf %get3A_460, %max3A_462 : vector<16xf32>
    %min3A_464 = arith.constant 0.699999988 : f32
    %min3A_465 = vector.broadcast %min3A_464 : f32 to vector<16xf32>
    %min3A_466 = arith.minimumf %max3A_463, %min3A_465 : vector<16xf32>
    %swap3A_467 = arith.constant 480 : index
    %swap3A_468 = tpu.vector_load %arg6[%swap3A_467] {strides = array<i32>} : memref<1024xf32, #tpu.memory_space<vmem>>, vector<16xf32>,
    %swap3A_469 = vector.shape_cast %swap3A_468 : vector<16xf32> to vector<16xf32>
    %swap3A_470 = vector.shape_cast %min3A_466 : vector<16xf32> to vector<16xf32>
    tpu.vector_store %arg6[%swap3A_467], %swap3A_470 {strides = array<i32>} : memref<1024xf32, #tpu.memory_space<vmem>>, vector<16xf32>,
    %get3A_471 = arith.constant 496 : index
    %get3A_472 = tpu.vector_load %arg6[%get3A_471] {strides = array<i32>} : memref<1024xf32, #tpu.memory_space<vmem>>, vector<16xf32>,
    %get3A_473 = vector.shape_cast %get3A_472 : vector<16xf32> to vector<16xf32>
    %max3A_474 = arith.constant 3.000000e-01 : f32
    %max3A_475 = vector.broadcast %max3A_474 : f32 to vector<16xf32>
    %max3A_476 = arith.maximumf %get3A_473, %max3A_475 : vector<16xf32>
    %min3A_477 = arith.constant 0.699999988 : f32
    %min3A_478 = vector.broadcast %min3A_477 : f32 to vector<16xf32>
    %min3A_479 = arith.minimumf %max3A_476, %min3A_478 : vector<16xf32>
    %swap3A_480 = arith.constant 496 : index
    %swap3A_481 = tpu.vector_load %arg6[%swap3A_480] {strides = array<i32>} : memref<1024xf32, #tpu.memory_space<vmem>>, vector<16xf32>,
    %swap3A_482 = vector.shape_cast %swap3A_481 : vector<16xf32> to vector<16xf32>
    %swap3A_483 = vector.shape_cast %min3A_479 : vector<16xf32> to vector<16xf32>
    tpu.vector_store %arg6[%swap3A_480], %swap3A_483 {strides = array<i32>} : memref<1024xf32, #tpu.memory_space<vmem>>, vector<16xf32>,
    %add3A_484 = arith.constant 0 : i32
    %add3A_485 = arith.addi %mul3A_2, %add3A_484 : i32
    %dma_start3A_486 = arith.constant 0 : i32
    %dma_start3A_487 = arith.constant 0 : i32
    %dma_start3A_488 = tpu.memref_slice %arg6[%dma_start3A_487] : memref<1024xf32, #tpu.memory_space<vmem>> -> memref<512xf32, #tpu.memory_space<vmem>>
    %dma_start3A_489 = tpu.memref_slice %arg4[%add3A_485] : memref<16384xf32, #tpu.memory_space<hbm>> -> memref<512xf32, #tpu.memory_space<hbm>>
    %dma_start3A_490 = tpu.memref_slice %arg9[%dma_start3A_486] : memref<2x!tpu.dma_semaphore, #tpu.memory_space<semaphore_mem>> -> memref<1x!tpu.dma_semaphore, #tpu.memory_space<semaphore_mem>>
    %dma_start3A_491 = tpu.memref_squeeze %dma_start3A_490 : memref<1x!tpu.dma_semaphore, #tpu.memory_space<semaphore_mem>> -> memref<!tpu.dma_semaphore, #tpu.memory_space<semaphore_mem>>
    %dma_start3A_492 = tpu.memref_slice %arg4[%add3A_485] : memref<16384xf32, #tpu.memory_space<hbm>> -> memref<512xf32, #tpu.memory_space<hbm>>
    %dma_start3A_493 = arith.constant 0 : i32
    %dma_start3A_494 = tpu.memref_slice %arg6[%dma_start3A_493] : memref<1024xf32, #tpu.memory_space<vmem>> -> memref<512xf32, #tpu.memory_space<vmem>>
    tpu.enqueue_dma source(%dma_start3A_494 : memref<512xf32, #tpu.memory_space<vmem>>) target(%dma_start3A_492 : memref<512xf32, #tpu.memory_space<hbm>>) target_semaphore(%dma_start3A_491 : memref<!tpu.dma_semaphore, #tpu.memory_space<semaphore_mem>>)
    %dma_wait3A_495 = arith.constant 1 : i32
    %dma_wait3A_496 = arith.constant 512 : i32
    %dma_wait3A_497 = tpu.memref_slice %arg6[%dma_wait3A_496] : memref<1024xf32, #tpu.memory_space<vmem>> -> memref<512xf32, #tpu.memory_space<vmem>>
    %dma_wait3A_498 = arith.constant 512 : i32
    %dma_wait3A_499 = tpu.memref_slice %arg5[%dma_wait3A_498] : memref<1024xi32, #tpu.memory_space<vmem>> -> memref<512xi32, #tpu.memory_space<vmem>>
    %dma_wait3A_500 = arith.constant 0 : i32
    %dma_wait3A_501 = tpu.memref_slice %arg2[%dma_wait3A_500] : memref<100000xf32, #tpu.memory_space<hbm>> -> memref<100000xf32, #tpu.memory_space<hbm>>
    %dma_wait3A_502 = tpu.memref_slice %arg8[%dma_wait3A_495] : memref<2x!tpu.dma_semaphore, #tpu.memory_space<semaphore_mem>> -> memref<1x!tpu.dma_semaphore, #tpu.memory_space<semaphore_mem>>
    %dma_wait3A_503 = tpu.memref_squeeze %dma_wait3A_502 : memref<1x!tpu.dma_semaphore, #tpu.memory_space<semaphore_mem>> -> memref<!tpu.dma_semaphore, #tpu.memory_space<semaphore_mem>>
    tpu.wait_indirect_dma semaphore(%dma_wait3A_503 : memref<!tpu.dma_semaphore, #tpu.memory_space<semaphore_mem>>) src(%dma_wait3A_501 : memref<100000xf32, #tpu.memory_space<hbm>>) dst(%dma_wait3A_497 : memref<512xf32, #tpu.memory_space<vmem>>)
    %get3A_504 = arith.constant 512 : index
    %get3A_505 = tpu.vector_load %arg6[%get3A_504] {strides = array<i32>} : memref<1024xf32, #tpu.memory_space<vmem>>, vector<16xf32>,
    %get3A_506 = vector.shape_cast %get3A_505 : vector<16xf32> to vector<16xf32>
    %max3A_507 = arith.constant 3.000000e-01 : f32
    %max3A_508 = vector.broadcast %max3A_507 : f32 to vector<16xf32>
    %max3A_509 = arith.maximumf %get3A_506, %max3A_508 : vector<16xf32>
    %min3A_510 = arith.constant 0.699999988 : f32
    %min3A_511 = vector.broadcast %min3A_510 : f32 to vector<16xf32>
    %min3A_512 = arith.minimumf %max3A_509, %min3A_511 : vector<16xf32>
    %swap3A_513 = arith.constant 512 : index
    %swap3A_514 = tpu.vector_load %arg6[%swap3A_513] {strides = array<i32>} : memref<1024xf32, #tpu.memory_space<vmem>>, vector<16xf32>,
    %swap3A_515 = vector.shape_cast %swap3A_514 : vector<16xf32> to vector<16xf32>
    %swap3A_516 = vector.shape_cast %min3A_512 : vector<16xf32> to vector<16xf32>
    tpu.vector_store %arg6[%swap3A_513], %swap3A_516 {strides = array<i32>} : memref<1024xf32, #tpu.memory_space<vmem>>, vector<16xf32>,
    %get3A_517 = arith.constant 528 : index
    %get3A_518 = tpu.vector_load %arg6[%get3A_517] {strides = array<i32>} : memref<1024xf32, #tpu.memory_space<vmem>>, vector<16xf32>,
    %get3A_519 = vector.shape_cast %get3A_518 : vector<16xf32> to vector<16xf32>
    %max3A_520 = arith.constant 3.000000e-01 : f32
    %max3A_521 = vector.broadcast %max3A_520 : f32 to vector<16xf32>
    %max3A_522 = arith.maximumf %get3A_519, %max3A_521 : vector<16xf32>
    %min3A_523 = arith.constant 0.699999988 : f32
    %min3A_524 = vector.broadcast %min3A_523 : f32 to vector<16xf32>
    %min3A_525 = arith.minimumf %max3A_522, %min3A_524 : vector<16xf32>
    %swap3A_526 = arith.constant 528 : index
    %swap3A_527 = tpu.vector_load %arg6[%swap3A_526] {strides = array<i32>} : memref<1024xf32, #tpu.memory_space<vmem>>, vector<16xf32>,
    %swap3A_528 = vector.shape_cast %swap3A_527 : vector<16xf32> to vector<16xf32>
    %swap3A_529 = vector.shape_cast %min3A_525 : vector<16xf32> to vector<16xf32>
    tpu.vector_store %arg6[%swap3A_526], %swap3A_529 {strides = array<i32>} : memref<1024xf32, #tpu.memory_space<vmem>>, vector<16xf32>,
    %get3A_530 = arith.constant 544 : index
    %get3A_531 = tpu.vector_load %arg6[%get3A_530] {strides = array<i32>} : memref<1024xf32, #tpu.memory_space<vmem>>, vector<16xf32>,
    %get3A_532 = vector.shape_cast %get3A_531 : vector<16xf32> to vector<16xf32>
    %max3A_533 = arith.constant 3.000000e-01 : f32
    %max3A_534 = vector.broadcast %max3A_533 : f32 to vector<16xf32>
    %max3A_535 = arith.maximumf %get3A_532, %max3A_534 : vector<16xf32>
    %min3A_536 = arith.constant 0.699999988 : f32
    %min3A_537 = vector.broadcast %min3A_536 : f32 to vector<16xf32>
    %min3A_538 = arith.minimumf %max3A_535, %min3A_537 : vector<16xf32>
    %swap3A_539 = arith.constant 544 : index
    %swap3A_540 = tpu.vector_load %arg6[%swap3A_539] {strides = array<i32>} : memref<1024xf32, #tpu.memory_space<vmem>>, vector<16xf32>,
    %swap3A_541 = vector.shape_cast %swap3A_540 : vector<16xf32> to vector<16xf32>
    %swap3A_542 = vector.shape_cast %min3A_538 : vector<16xf32> to vector<16xf32>
    tpu.vector_store %arg6[%swap3A_539], %swap3A_542 {strides = array<i32>} : memref<1024xf32, #tpu.memory_space<vmem>>, vector<16xf32>,
    %get3A_543 = arith.constant 560 : index
    %get3A_544 = tpu.vector_load %arg6[%get3A_543] {strides = array<i32>} : memref<1024xf32, #tpu.memory_space<vmem>>, vector<16xf32>,
    %get3A_545 = vector.shape_cast %get3A_544 : vector<16xf32> to vector<16xf32>
    %max3A_546 = arith.constant 3.000000e-01 : f32
    %max3A_547 = vector.broadcast %max3A_546 : f32 to vector<16xf32>
    %max3A_548 = arith.maximumf %get3A_545, %max3A_547 : vector<16xf32>
    %min3A_549 = arith.constant 0.699999988 : f32
    %min3A_550 = vector.broadcast %min3A_549 : f32 to vector<16xf32>
    %min3A_551 = arith.minimumf %max3A_548, %min3A_550 : vector<16xf32>
    %swap3A_552 = arith.constant 560 : index
    %swap3A_553 = tpu.vector_load %arg6[%swap3A_552] {strides = array<i32>} : memref<1024xf32, #tpu.memory_space<vmem>>, vector<16xf32>,
    %swap3A_554 = vector.shape_cast %swap3A_553 : vector<16xf32> to vector<16xf32>
    %swap3A_555 = vector.shape_cast %min3A_551 : vector<16xf32> to vector<16xf32>
    tpu.vector_store %arg6[%swap3A_552], %swap3A_555 {strides = array<i32>} : memref<1024xf32, #tpu.memory_space<vmem>>, vector<16xf32>,
    %get3A_556 = arith.constant 576 : index
    %get3A_557 = tpu.vector_load %arg6[%get3A_556] {strides = array<i32>} : memref<1024xf32, #tpu.memory_space<vmem>>, vector<16xf32>,
    %get3A_558 = vector.shape_cast %get3A_557 : vector<16xf32> to vector<16xf32>
    %max3A_559 = arith.constant 3.000000e-01 : f32
    %max3A_560 = vector.broadcast %max3A_559 : f32 to vector<16xf32>
    %max3A_561 = arith.maximumf %get3A_558, %max3A_560 : vector<16xf32>
    %min3A_562 = arith.constant 0.699999988 : f32
    %min3A_563 = vector.broadcast %min3A_562 : f32 to vector<16xf32>
    %min3A_564 = arith.minimumf %max3A_561, %min3A_563 : vector<16xf32>
    %swap3A_565 = arith.constant 576 : index
    %swap3A_566 = tpu.vector_load %arg6[%swap3A_565] {strides = array<i32>} : memref<1024xf32, #tpu.memory_space<vmem>>, vector<16xf32>,
    %swap3A_567 = vector.shape_cast %swap3A_566 : vector<16xf32> to vector<16xf32>
    %swap3A_568 = vector.shape_cast %min3A_564 : vector<16xf32> to vector<16xf32>
    tpu.vector_store %arg6[%swap3A_565], %swap3A_568 {strides = array<i32>} : memref<1024xf32, #tpu.memory_space<vmem>>, vector<16xf32>,
    %get3A_569 = arith.constant 592 : index
    %get3A_570 = tpu.vector_load %arg6[%get3A_569] {strides = array<i32>} : memref<1024xf32, #tpu.memory_space<vmem>>, vector<16xf32>,
    %get3A_571 = vector.shape_cast %get3A_570 : vector<16xf32> to vector<16xf32>
    %max3A_572 = arith.constant 3.000000e-01 : f32
    %max3A_573 = vector.broadcast %max3A_572 : f32 to vector<16xf32>
    %max3A_574 = arith.maximumf %get3A_571, %max3A_573 : vector<16xf32>
    %min3A_575 = arith.constant 0.699999988 : f32
    %min3A_576 = vector.broadcast %min3A_575 : f32 to vector<16xf32>
    %min3A_577 = arith.minimumf %max3A_574, %min3A_576 : vector<16xf32>
    %swap3A_578 = arith.constant 592 : index
    %swap3A_579 = tpu.vector_load %arg6[%swap3A_578] {strides = array<i32>} : memref<1024xf32, #tpu.memory_space<vmem>>, vector<16xf32>,
    %swap3A_580 = vector.shape_cast %swap3A_579 : vector<16xf32> to vector<16xf32>
    %swap3A_581 = vector.shape_cast %min3A_577 : vector<16xf32> to vector<16xf32>
    tpu.vector_store %arg6[%swap3A_578], %swap3A_581 {strides = array<i32>} : memref<1024xf32, #tpu.memory_space<vmem>>, vector<16xf32>,
    %get3A_582 = arith.constant 608 : index
    %get3A_583 = tpu.vector_load %arg6[%get3A_582] {strides = array<i32>} : memref<1024xf32, #tpu.memory_space<vmem>>, vector<16xf32>,
    %get3A_584 = vector.shape_cast %get3A_583 : vector<16xf32> to vector<16xf32>
    %max3A_585 = arith.constant 3.000000e-01 : f32
    %max3A_586 = vector.broadcast %max3A_585 : f32 to vector<16xf32>
    %max3A_587 = arith.maximumf %get3A_584, %max3A_586 : vector<16xf32>
    %min3A_588 = arith.constant 0.699999988 : f32
    %min3A_589 = vector.broadcast %min3A_588 : f32 to vector<16xf32>
    %min3A_590 = arith.minimumf %max3A_587, %min3A_589 : vector<16xf32>
    %swap3A_591 = arith.constant 608 : index
    %swap3A_592 = tpu.vector_load %arg6[%swap3A_591] {strides = array<i32>} : memref<1024xf32, #tpu.memory_space<vmem>>, vector<16xf32>,
    %swap3A_593 = vector.shape_cast %swap3A_592 : vector<16xf32> to vector<16xf32>
    %swap3A_594 = vector.shape_cast %min3A_590 : vector<16xf32> to vector<16xf32>
    tpu.vector_store %arg6[%swap3A_591], %swap3A_594 {strides = array<i32>} : memref<1024xf32, #tpu.memory_space<vmem>>, vector<16xf32>,
    %get3A_595 = arith.constant 624 : index
    %get3A_596 = tpu.vector_load %arg6[%get3A_595] {strides = array<i32>} : memref<1024xf32, #tpu.memory_space<vmem>>, vector<16xf32>,
    %get3A_597 = vector.shape_cast %get3A_596 : vector<16xf32> to vector<16xf32>
    %max3A_598 = arith.constant 3.000000e-01 : f32
    %max3A_599 = vector.broadcast %max3A_598 : f32 to vector<16xf32>
    %max3A_600 = arith.maximumf %get3A_597, %max3A_599 : vector<16xf32>
    %min3A_601 = arith.constant 0.699999988 : f32
    %min3A_602 = vector.broadcast %min3A_601 : f32 to vector<16xf32>
    %min3A_603 = arith.minimumf %max3A_600, %min3A_602 : vector<16xf32>
    %swap3A_604 = arith.constant 624 : index
    %swap3A_605 = tpu.vector_load %arg6[%swap3A_604] {strides = array<i32>} : memref<1024xf32, #tpu.memory_space<vmem>>, vector<16xf32>,
    %swap3A_606 = vector.shape_cast %swap3A_605 : vector<16xf32> to vector<16xf32>
    %swap3A_607 = vector.shape_cast %min3A_603 : vector<16xf32> to vector<16xf32>
    tpu.vector_store %arg6[%swap3A_604], %swap3A_607 {strides = array<i32>} : memref<1024xf32, #tpu.memory_space<vmem>>, vector<16xf32>,
    %get3A_608 = arith.constant 640 : index
    %get3A_609 = tpu.vector_load %arg6[%get3A_608] {strides = array<i32>} : memref<1024xf32, #tpu.memory_space<vmem>>, vector<16xf32>,
    %get3A_610 = vector.shape_cast %get3A_609 : vector<16xf32> to vector<16xf32>
    %max3A_611 = arith.constant 3.000000e-01 : f32
    %max3A_612 = vector.broadcast %max3A_611 : f32 to vector<16xf32>
    %max3A_613 = arith.maximumf %get3A_610, %max3A_612 : vector<16xf32>
    %min3A_614 = arith.constant 0.699999988 : f32
    %min3A_615 = vector.broadcast %min3A_614 : f32 to vector<16xf32>
    %min3A_616 = arith.minimumf %max3A_613, %min3A_615 : vector<16xf32>
    %swap3A_617 = arith.constant 640 : index
    %swap3A_618 = tpu.vector_load %arg6[%swap3A_617] {strides = array<i32>} : memref<1024xf32, #tpu.memory_space<vmem>>, vector<16xf32>,
    %swap3A_619 = vector.shape_cast %swap3A_618 : vector<16xf32> to vector<16xf32>
    %swap3A_620 = vector.shape_cast %min3A_616 : vector<16xf32> to vector<16xf32>
    tpu.vector_store %arg6[%swap3A_617], %swap3A_620 {strides = array<i32>} : memref<1024xf32, #tpu.memory_space<vmem>>, vector<16xf32>,
    %get3A_621 = arith.constant 656 : index
    %get3A_622 = tpu.vector_load %arg6[%get3A_621] {strides = array<i32>} : memref<1024xf32, #tpu.memory_space<vmem>>, vector<16xf32>,
    %get3A_623 = vector.shape_cast %get3A_622 : vector<16xf32> to vector<16xf32>
    %max3A_624 = arith.constant 3.000000e-01 : f32
    %max3A_625 = vector.broadcast %max3A_624 : f32 to vector<16xf32>
    %max3A_626 = arith.maximumf %get3A_623, %max3A_625 : vector<16xf32>
    %min3A_627 = arith.constant 0.699999988 : f32
    %min3A_628 = vector.broadcast %min3A_627 : f32 to vector<16xf32>
    %min3A_629 = arith.minimumf %max3A_626, %min3A_628 : vector<16xf32>
    %swap3A_630 = arith.constant 656 : index
    %swap3A_631 = tpu.vector_load %arg6[%swap3A_630] {strides = array<i32>} : memref<1024xf32, #tpu.memory_space<vmem>>, vector<16xf32>,
    %swap3A_632 = vector.shape_cast %swap3A_631 : vector<16xf32> to vector<16xf32>
    %swap3A_633 = vector.shape_cast %min3A_629 : vector<16xf32> to vector<16xf32>
    tpu.vector_store %arg6[%swap3A_630], %swap3A_633 {strides = array<i32>} : memref<1024xf32, #tpu.memory_space<vmem>>, vector<16xf32>,
    %get3A_634 = arith.constant 672 : index
    %get3A_635 = tpu.vector_load %arg6[%get3A_634] {strides = array<i32>} : memref<1024xf32, #tpu.memory_space<vmem>>, vector<16xf32>,
    %get3A_636 = vector.shape_cast %get3A_635 : vector<16xf32> to vector<16xf32>
    %max3A_637 = arith.constant 3.000000e-01 : f32
    %max3A_638 = vector.broadcast %max3A_637 : f32 to vector<16xf32>
    %max3A_639 = arith.maximumf %get3A_636, %max3A_638 : vector<16xf32>
    %min3A_640 = arith.constant 0.699999988 : f32
    %min3A_641 = vector.broadcast %min3A_640 : f32 to vector<16xf32>
    %min3A_642 = arith.minimumf %max3A_639, %min3A_641 : vector<16xf32>
    %swap3A_643 = arith.constant 672 : index
    %swap3A_644 = tpu.vector_load %arg6[%swap3A_643] {strides = array<i32>} : memref<1024xf32, #tpu.memory_space<vmem>>, vector<16xf32>,
    %swap3A_645 = vector.shape_cast %swap3A_644 : vector<16xf32> to vector<16xf32>
    %swap3A_646 = vector.shape_cast %min3A_642 : vector<16xf32> to vector<16xf32>
    tpu.vector_store %arg6[%swap3A_643], %swap3A_646 {strides = array<i32>} : memref<1024xf32, #tpu.memory_space<vmem>>, vector<16xf32>,
    %get3A_647 = arith.constant 688 : index
    %get3A_648 = tpu.vector_load %arg6[%get3A_647] {strides = array<i32>} : memref<1024xf32, #tpu.memory_space<vmem>>, vector<16xf32>,
    %get3A_649 = vector.shape_cast %get3A_648 : vector<16xf32> to vector<16xf32>
    %max3A_650 = arith.constant 3.000000e-01 : f32
    %max3A_651 = vector.broadcast %max3A_650 : f32 to vector<16xf32>
    %max3A_652 = arith.maximumf %get3A_649, %max3A_651 : vector<16xf32>
    %min3A_653 = arith.constant 0.699999988 : f32
    %min3A_654 = vector.broadcast %min3A_653 : f32 to vector<16xf32>
    %min3A_655 = arith.minimumf %max3A_652, %min3A_654 : vector<16xf32>
    %swap3A_656 = arith.constant 688 : index
    %swap3A_657 = tpu.vector_load %arg6[%swap3A_656] {strides = array<i32>} : memref<1024xf32, #tpu.memory_space<vmem>>, vector<16xf32>,
    %swap3A_658 = vector.shape_cast %swap3A_657 : vector<16xf32> to vector<16xf32>
    %swap3A_659 = vector.shape_cast %min3A_655 : vector<16xf32> to vector<16xf32>
    tpu.vector_store %arg6[%swap3A_656], %swap3A_659 {strides = array<i32>} : memref<1024xf32, #tpu.memory_space<vmem>>, vector<16xf32>,
    %get3A_660 = arith.constant 704 : index
    %get3A_661 = tpu.vector_load %arg6[%get3A_660] {strides = array<i32>} : memref<1024xf32, #tpu.memory_space<vmem>>, vector<16xf32>,
    %get3A_662 = vector.shape_cast %get3A_661 : vector<16xf32> to vector<16xf32>
    %max3A_663 = arith.constant 3.000000e-01 : f32
    %max3A_664 = vector.broadcast %max3A_663 : f32 to vector<16xf32>
    %max3A_665 = arith.maximumf %get3A_662, %max3A_664 : vector<16xf32>
    %min3A_666 = arith.constant 0.699999988 : f32
    %min3A_667 = vector.broadcast %min3A_666 : f32 to vector<16xf32>
    %min3A_668 = arith.minimumf %max3A_665, %min3A_667 : vector<16xf32>
    %swap3A_669 = arith.constant 704 : index
    %swap3A_670 = tpu.vector_load %arg6[%swap3A_669] {strides = array<i32>} : memref<1024xf32, #tpu.memory_space<vmem>>, vector<16xf32>,
    %swap3A_671 = vector.shape_cast %swap3A_670 : vector<16xf32> to vector<16xf32>
    %swap3A_672 = vector.shape_cast %min3A_668 : vector<16xf32> to vector<16xf32>
    tpu.vector_store %arg6[%swap3A_669], %swap3A_672 {strides = array<i32>} : memref<1024xf32, #tpu.memory_space<vmem>>, vector<16xf32>,
    %get3A_673 = arith.constant 720 : index
    %get3A_674 = tpu.vector_load %arg6[%get3A_673] {strides = array<i32>} : memref<1024xf32, #tpu.memory_space<vmem>>, vector<16xf32>,
    %get3A_675 = vector.shape_cast %get3A_674 : vector<16xf32> to vector<16xf32>
    %max3A_676 = arith.constant 3.000000e-01 : f32
    %max3A_677 = vector.broadcast %max3A_676 : f32 to vector<16xf32>
    %max3A_678 = arith.maximumf %get3A_675, %max3A_677 : vector<16xf32>
    %min3A_679 = arith.constant 0.699999988 : f32
    %min3A_680 = vector.broadcast %min3A_679 : f32 to vector<16xf32>
    %min3A_681 = arith.minimumf %max3A_678, %min3A_680 : vector<16xf32>
    %swap3A_682 = arith.constant 720 : index
    %swap3A_683 = tpu.vector_load %arg6[%swap3A_682] {strides = array<i32>} : memref<1024xf32, #tpu.memory_space<vmem>>, vector<16xf32>,
    %swap3A_684 = vector.shape_cast %swap3A_683 : vector<16xf32> to vector<16xf32>
    %swap3A_685 = vector.shape_cast %min3A_681 : vector<16xf32> to vector<16xf32>
    tpu.vector_store %arg6[%swap3A_682], %swap3A_685 {strides = array<i32>} : memref<1024xf32, #tpu.memory_space<vmem>>, vector<16xf32>,
    %get3A_686 = arith.constant 736 : index
    %get3A_687 = tpu.vector_load %arg6[%get3A_686] {strides = array<i32>} : memref<1024xf32, #tpu.memory_space<vmem>>, vector<16xf32>,
    %get3A_688 = vector.shape_cast %get3A_687 : vector<16xf32> to vector<16xf32>
    %max3A_689 = arith.constant 3.000000e-01 : f32
    %max3A_690 = vector.broadcast %max3A_689 : f32 to vector<16xf32>
    %max3A_691 = arith.maximumf %get3A_688, %max3A_690 : vector<16xf32>
    %min3A_692 = arith.constant 0.699999988 : f32
    %min3A_693 = vector.broadcast %min3A_692 : f32 to vector<16xf32>
    %min3A_694 = arith.minimumf %max3A_691, %min3A_693 : vector<16xf32>
    %swap3A_695 = arith.constant 736 : index
    %swap3A_696 = tpu.vector_load %arg6[%swap3A_695] {strides = array<i32>} : memref<1024xf32, #tpu.memory_space<vmem>>, vector<16xf32>,
    %swap3A_697 = vector.shape_cast %swap3A_696 : vector<16xf32> to vector<16xf32>
    %swap3A_698 = vector.shape_cast %min3A_694 : vector<16xf32> to vector<16xf32>
    tpu.vector_store %arg6[%swap3A_695], %swap3A_698 {strides = array<i32>} : memref<1024xf32, #tpu.memory_space<vmem>>, vector<16xf32>,
    %get3A_699 = arith.constant 752 : index
    %get3A_700 = tpu.vector_load %arg6[%get3A_699] {strides = array<i32>} : memref<1024xf32, #tpu.memory_space<vmem>>, vector<16xf32>,
    %get3A_701 = vector.shape_cast %get3A_700 : vector<16xf32> to vector<16xf32>
    %max3A_702 = arith.constant 3.000000e-01 : f32
    %max3A_703 = vector.broadcast %max3A_702 : f32 to vector<16xf32>
    %max3A_704 = arith.maximumf %get3A_701, %max3A_703 : vector<16xf32>
    %min3A_705 = arith.constant 0.699999988 : f32
    %min3A_706 = vector.broadcast %min3A_705 : f32 to vector<16xf32>
    %min3A_707 = arith.minimumf %max3A_704, %min3A_706 : vector<16xf32>
    %swap3A_708 = arith.constant 752 : index
    %swap3A_709 = tpu.vector_load %arg6[%swap3A_708] {strides = array<i32>} : memref<1024xf32, #tpu.memory_space<vmem>>, vector<16xf32>,
    %swap3A_710 = vector.shape_cast %swap3A_709 : vector<16xf32> to vector<16xf32>
    %swap3A_711 = vector.shape_cast %min3A_707 : vector<16xf32> to vector<16xf32>
    tpu.vector_store %arg6[%swap3A_708], %swap3A_711 {strides = array<i32>} : memref<1024xf32, #tpu.memory_space<vmem>>, vector<16xf32>,
    %get3A_712 = arith.constant 768 : index
    %get3A_713 = tpu.vector_load %arg6[%get3A_712] {strides = array<i32>} : memref<1024xf32, #tpu.memory_space<vmem>>, vector<16xf32>,
    %get3A_714 = vector.shape_cast %get3A_713 : vector<16xf32> to vector<16xf32>
    %max3A_715 = arith.constant 3.000000e-01 : f32
    %max3A_716 = vector.broadcast %max3A_715 : f32 to vector<16xf32>
    %max3A_717 = arith.maximumf %get3A_714, %max3A_716 : vector<16xf32>
    %min3A_718 = arith.constant 0.699999988 : f32
    %min3A_719 = vector.broadcast %min3A_718 : f32 to vector<16xf32>
    %min3A_720 = arith.minimumf %max3A_717, %min3A_719 : vector<16xf32>
    %swap3A_721 = arith.constant 768 : index
    %swap3A_722 = tpu.vector_load %arg6[%swap3A_721] {strides = array<i32>} : memref<1024xf32, #tpu.memory_space<vmem>>, vector<16xf32>,
    %swap3A_723 = vector.shape_cast %swap3A_722 : vector<16xf32> to vector<16xf32>
    %swap3A_724 = vector.shape_cast %min3A_720 : vector<16xf32> to vector<16xf32>
    tpu.vector_store %arg6[%swap3A_721], %swap3A_724 {strides = array<i32>} : memref<1024xf32, #tpu.memory_space<vmem>>, vector<16xf32>,
    %get3A_725 = arith.constant 784 : index
    %get3A_726 = tpu.vector_load %arg6[%get3A_725] {strides = array<i32>} : memref<1024xf32, #tpu.memory_space<vmem>>, vector<16xf32>,
    %get3A_727 = vector.shape_cast %get3A_726 : vector<16xf32> to vector<16xf32>
    %max3A_728 = arith.constant 3.000000e-01 : f32
    %max3A_729 = vector.broadcast %max3A_728 : f32 to vector<16xf32>
    %max3A_730 = arith.maximumf %get3A_727, %max3A_729 : vector<16xf32>
    %min3A_731 = arith.constant 0.699999988 : f32
    %min3A_732 = vector.broadcast %min3A_731 : f32 to vector<16xf32>
    %min3A_733 = arith.minimumf %max3A_730, %min3A_732 : vector<16xf32>
    %swap3A_734 = arith.constant 784 : index
    %swap3A_735 = tpu.vector_load %arg6[%swap3A_734] {strides = array<i32>} : memref<1024xf32, #tpu.memory_space<vmem>>, vector<16xf32>,
    %swap3A_736 = vector.shape_cast %swap3A_735 : vector<16xf32> to vector<16xf32>
    %swap3A_737 = vector.shape_cast %min3A_733 : vector<16xf32> to vector<16xf32>
    tpu.vector_store %arg6[%swap3A_734], %swap3A_737 {strides = array<i32>} : memref<1024xf32, #tpu.memory_space<vmem>>, vector<16xf32>,
    %get3A_738 = arith.constant 800 : index
    %get3A_739 = tpu.vector_load %arg6[%get3A_738] {strides = array<i32>} : memref<1024xf32, #tpu.memory_space<vmem>>, vector<16xf32>,
    %get3A_740 = vector.shape_cast %get3A_739 : vector<16xf32> to vector<16xf32>
    %max3A_741 = arith.constant 3.000000e-01 : f32
    %max3A_742 = vector.broadcast %max3A_741 : f32 to vector<16xf32>
    %max3A_743 = arith.maximumf %get3A_740, %max3A_742 : vector<16xf32>
    %min3A_744 = arith.constant 0.699999988 : f32
    %min3A_745 = vector.broadcast %min3A_744 : f32 to vector<16xf32>
    %min3A_746 = arith.minimumf %max3A_743, %min3A_745 : vector<16xf32>
    %swap3A_747 = arith.constant 800 : index
    %swap3A_748 = tpu.vector_load %arg6[%swap3A_747] {strides = array<i32>} : memref<1024xf32, #tpu.memory_space<vmem>>, vector<16xf32>,
    %swap3A_749 = vector.shape_cast %swap3A_748 : vector<16xf32> to vector<16xf32>
    %swap3A_750 = vector.shape_cast %min3A_746 : vector<16xf32> to vector<16xf32>
    tpu.vector_store %arg6[%swap3A_747], %swap3A_750 {strides = array<i32>} : memref<1024xf32, #tpu.memory_space<vmem>>, vector<16xf32>,
    %get3A_751 = arith.constant 816 : index
    %get3A_752 = tpu.vector_load %arg6[%get3A_751] {strides = array<i32>} : memref<1024xf32, #tpu.memory_space<vmem>>, vector<16xf32>,
    %get3A_753 = vector.shape_cast %get3A_752 : vector<16xf32> to vector<16xf32>
    %max3A_754 = arith.constant 3.000000e-01 : f32
    %max3A_755 = vector.broadcast %max3A_754 : f32 to vector<16xf32>
    %max3A_756 = arith.maximumf %get3A_753, %max3A_755 : vector<16xf32>
    %min3A_757 = arith.constant 0.699999988 : f32
    %min3A_758 = vector.broadcast %min3A_757 : f32 to vector<16xf32>
    %min3A_759 = arith.minimumf %max3A_756, %min3A_758 : vector<16xf32>
    %swap3A_760 = arith.constant 816 : index
    %swap3A_761 = tpu.vector_load %arg6[%swap3A_760] {strides = array<i32>} : memref<1024xf32, #tpu.memory_space<vmem>>, vector<16xf32>,
    %swap3A_762 = vector.shape_cast %swap3A_761 : vector<16xf32> to vector<16xf32>
    %swap3A_763 = vector.shape_cast %min3A_759 : vector<16xf32> to vector<16xf32>
    tpu.vector_store %arg6[%swap3A_760], %swap3A_763 {strides = array<i32>} : memref<1024xf32, #tpu.memory_space<vmem>>, vector<16xf32>,
    %get3A_764 = arith.constant 832 : index
    %get3A_765 = tpu.vector_load %arg6[%get3A_764] {strides = array<i32>} : memref<1024xf32, #tpu.memory_space<vmem>>, vector<16xf32>,
    %get3A_766 = vector.shape_cast %get3A_765 : vector<16xf32> to vector<16xf32>
    %max3A_767 = arith.constant 3.000000e-01 : f32
    %max3A_768 = vector.broadcast %max3A_767 : f32 to vector<16xf32>
    %max3A_769 = arith.maximumf %get3A_766, %max3A_768 : vector<16xf32>
    %min3A_770 = arith.constant 0.699999988 : f32
    %min3A_771 = vector.broadcast %min3A_770 : f32 to vector<16xf32>
    %min3A_772 = arith.minimumf %max3A_769, %min3A_771 : vector<16xf32>
    %swap3A_773 = arith.constant 832 : index
    %swap3A_774 = tpu.vector_load %arg6[%swap3A_773] {strides = array<i32>} : memref<1024xf32, #tpu.memory_space<vmem>>, vector<16xf32>,
    %swap3A_775 = vector.shape_cast %swap3A_774 : vector<16xf32> to vector<16xf32>
    %swap3A_776 = vector.shape_cast %min3A_772 : vector<16xf32> to vector<16xf32>
    tpu.vector_store %arg6[%swap3A_773], %swap3A_776 {strides = array<i32>} : memref<1024xf32, #tpu.memory_space<vmem>>, vector<16xf32>,
    %get3A_777 = arith.constant 848 : index
    %get3A_778 = tpu.vector_load %arg6[%get3A_777] {strides = array<i32>} : memref<1024xf32, #tpu.memory_space<vmem>>, vector<16xf32>,
    %get3A_779 = vector.shape_cast %get3A_778 : vector<16xf32> to vector<16xf32>
    %max3A_780 = arith.constant 3.000000e-01 : f32
    %max3A_781 = vector.broadcast %max3A_780 : f32 to vector<16xf32>
    %max3A_782 = arith.maximumf %get3A_779, %max3A_781 : vector<16xf32>
    %min3A_783 = arith.constant 0.699999988 : f32
    %min3A_784 = vector.broadcast %min3A_783 : f32 to vector<16xf32>
    %min3A_785 = arith.minimumf %max3A_782, %min3A_784 : vector<16xf32>
    %swap3A_786 = arith.constant 848 : index
    %swap3A_787 = tpu.vector_load %arg6[%swap3A_786] {strides = array<i32>} : memref<1024xf32, #tpu.memory_space<vmem>>, vector<16xf32>,
    %swap3A_788 = vector.shape_cast %swap3A_787 : vector<16xf32> to vector<16xf32>
    %swap3A_789 = vector.shape_cast %min3A_785 : vector<16xf32> to vector<16xf32>
    tpu.vector_store %arg6[%swap3A_786], %swap3A_789 {strides = array<i32>} : memref<1024xf32, #tpu.memory_space<vmem>>, vector<16xf32>,
    %get3A_790 = arith.constant 864 : index
    %get3A_791 = tpu.vector_load %arg6[%get3A_790] {strides = array<i32>} : memref<1024xf32, #tpu.memory_space<vmem>>, vector<16xf32>,
    %get3A_792 = vector.shape_cast %get3A_791 : vector<16xf32> to vector<16xf32>
    %max3A_793 = arith.constant 3.000000e-01 : f32
    %max3A_794 = vector.broadcast %max3A_793 : f32 to vector<16xf32>
    %max3A_795 = arith.maximumf %get3A_792, %max3A_794 : vector<16xf32>
    %min3A_796 = arith.constant 0.699999988 : f32
    %min3A_797 = vector.broadcast %min3A_796 : f32 to vector<16xf32>
    %min3A_798 = arith.minimumf %max3A_795, %min3A_797 : vector<16xf32>
    %swap3A_799 = arith.constant 864 : index
    %swap3A_800 = tpu.vector_load %arg6[%swap3A_799] {strides = array<i32>} : memref<1024xf32, #tpu.memory_space<vmem>>, vector<16xf32>,
    %swap3A_801 = vector.shape_cast %swap3A_800 : vector<16xf32> to vector<16xf32>
    %swap3A_802 = vector.shape_cast %min3A_798 : vector<16xf32> to vector<16xf32>
    tpu.vector_store %arg6[%swap3A_799], %swap3A_802 {strides = array<i32>} : memref<1024xf32, #tpu.memory_space<vmem>>, vector<16xf32>,
    %get3A_803 = arith.constant 880 : index
    %get3A_804 = tpu.vector_load %arg6[%get3A_803] {strides = array<i32>} : memref<1024xf32, #tpu.memory_space<vmem>>, vector<16xf32>,
    %get3A_805 = vector.shape_cast %get3A_804 : vector<16xf32> to vector<16xf32>
    %max3A_806 = arith.constant 3.000000e-01 : f32
    %max3A_807 = vector.broadcast %max3A_806 : f32 to vector<16xf32>
    %max3A_808 = arith.maximumf %get3A_805, %max3A_807 : vector<16xf32>
    %min3A_809 = arith.constant 0.699999988 : f32
    %min3A_810 = vector.broadcast %min3A_809 : f32 to vector<16xf32>
    %min3A_811 = arith.minimumf %max3A_808, %min3A_810 : vector<16xf32>
    %swap3A_812 = arith.constant 880 : index
    %swap3A_813 = tpu.vector_load %arg6[%swap3A_812] {strides = array<i32>} : memref<1024xf32, #tpu.memory_space<vmem>>, vector<16xf32>,
    %swap3A_814 = vector.shape_cast %swap3A_813 : vector<16xf32> to vector<16xf32>
    %swap3A_815 = vector.shape_cast %min3A_811 : vector<16xf32> to vector<16xf32>
    tpu.vector_store %arg6[%swap3A_812], %swap3A_815 {strides = array<i32>} : memref<1024xf32, #tpu.memory_space<vmem>>, vector<16xf32>,
    %get3A_816 = arith.constant 896 : index
    %get3A_817 = tpu.vector_load %arg6[%get3A_816] {strides = array<i32>} : memref<1024xf32, #tpu.memory_space<vmem>>, vector<16xf32>,
    %get3A_818 = vector.shape_cast %get3A_817 : vector<16xf32> to vector<16xf32>
    %max3A_819 = arith.constant 3.000000e-01 : f32
    %max3A_820 = vector.broadcast %max3A_819 : f32 to vector<16xf32>
    %max3A_821 = arith.maximumf %get3A_818, %max3A_820 : vector<16xf32>
    %min3A_822 = arith.constant 0.699999988 : f32
    %min3A_823 = vector.broadcast %min3A_822 : f32 to vector<16xf32>
    %min3A_824 = arith.minimumf %max3A_821, %min3A_823 : vector<16xf32>
    %swap3A_825 = arith.constant 896 : index
    %swap3A_826 = tpu.vector_load %arg6[%swap3A_825] {strides = array<i32>} : memref<1024xf32, #tpu.memory_space<vmem>>, vector<16xf32>,
    %swap3A_827 = vector.shape_cast %swap3A_826 : vector<16xf32> to vector<16xf32>
    %swap3A_828 = vector.shape_cast %min3A_824 : vector<16xf32> to vector<16xf32>
    tpu.vector_store %arg6[%swap3A_825], %swap3A_828 {strides = array<i32>} : memref<1024xf32, #tpu.memory_space<vmem>>, vector<16xf32>,
    %get3A_829 = arith.constant 912 : index
    %get3A_830 = tpu.vector_load %arg6[%get3A_829] {strides = array<i32>} : memref<1024xf32, #tpu.memory_space<vmem>>, vector<16xf32>,
    %get3A_831 = vector.shape_cast %get3A_830 : vector<16xf32> to vector<16xf32>
    %max3A_832 = arith.constant 3.000000e-01 : f32
    %max3A_833 = vector.broadcast %max3A_832 : f32 to vector<16xf32>
    %max3A_834 = arith.maximumf %get3A_831, %max3A_833 : vector<16xf32>
    %min3A_835 = arith.constant 0.699999988 : f32
    %min3A_836 = vector.broadcast %min3A_835 : f32 to vector<16xf32>
    %min3A_837 = arith.minimumf %max3A_834, %min3A_836 : vector<16xf32>
    %swap3A_838 = arith.constant 912 : index
    %swap3A_839 = tpu.vector_load %arg6[%swap3A_838] {strides = array<i32>} : memref<1024xf32, #tpu.memory_space<vmem>>, vector<16xf32>,
    %swap3A_840 = vector.shape_cast %swap3A_839 : vector<16xf32> to vector<16xf32>
    %swap3A_841 = vector.shape_cast %min3A_837 : vector<16xf32> to vector<16xf32>
    tpu.vector_store %arg6[%swap3A_838], %swap3A_841 {strides = array<i32>} : memref<1024xf32, #tpu.memory_space<vmem>>, vector<16xf32>,
    %get3A_842 = arith.constant 928 : index
    %get3A_843 = tpu.vector_load %arg6[%get3A_842] {strides = array<i32>} : memref<1024xf32, #tpu.memory_space<vmem>>, vector<16xf32>,
    %get3A_844 = vector.shape_cast %get3A_843 : vector<16xf32> to vector<16xf32>
    %max3A_845 = arith.constant 3.000000e-01 : f32
    %max3A_846 = vector.broadcast %max3A_845 : f32 to vector<16xf32>
    %max3A_847 = arith.maximumf %get3A_844, %max3A_846 : vector<16xf32>
    %min3A_848 = arith.constant 0.699999988 : f32
    %min3A_849 = vector.broadcast %min3A_848 : f32 to vector<16xf32>
    %min3A_850 = arith.minimumf %max3A_847, %min3A_849 : vector<16xf32>
    %swap3A_851 = arith.constant 928 : index
    %swap3A_852 = tpu.vector_load %arg6[%swap3A_851] {strides = array<i32>} : memref<1024xf32, #tpu.memory_space<vmem>>, vector<16xf32>,
    %swap3A_853 = vector.shape_cast %swap3A_852 : vector<16xf32> to vector<16xf32>
    %swap3A_854 = vector.shape_cast %min3A_850 : vector<16xf32> to vector<16xf32>
    tpu.vector_store %arg6[%swap3A_851], %swap3A_854 {strides = array<i32>} : memref<1024xf32, #tpu.memory_space<vmem>>, vector<16xf32>,
    %get3A_855 = arith.constant 944 : index
    %get3A_856 = tpu.vector_load %arg6[%get3A_855] {strides = array<i32>} : memref<1024xf32, #tpu.memory_space<vmem>>, vector<16xf32>,
    %get3A_857 = vector.shape_cast %get3A_856 : vector<16xf32> to vector<16xf32>
    %max3A_858 = arith.constant 3.000000e-01 : f32
    %max3A_859 = vector.broadcast %max3A_858 : f32 to vector<16xf32>
    %max3A_860 = arith.maximumf %get3A_857, %max3A_859 : vector<16xf32>
    %min3A_861 = arith.constant 0.699999988 : f32
    %min3A_862 = vector.broadcast %min3A_861 : f32 to vector<16xf32>
    %min3A_863 = arith.minimumf %max3A_860, %min3A_862 : vector<16xf32>
    %swap3A_864 = arith.constant 944 : index
    %swap3A_865 = tpu.vector_load %arg6[%swap3A_864] {strides = array<i32>} : memref<1024xf32, #tpu.memory_space<vmem>>, vector<16xf32>,
    %swap3A_866 = vector.shape_cast %swap3A_865 : vector<16xf32> to vector<16xf32>
    %swap3A_867 = vector.shape_cast %min3A_863 : vector<16xf32> to vector<16xf32>
    tpu.vector_store %arg6[%swap3A_864], %swap3A_867 {strides = array<i32>} : memref<1024xf32, #tpu.memory_space<vmem>>, vector<16xf32>,
    %get3A_868 = arith.constant 960 : index
    %get3A_869 = tpu.vector_load %arg6[%get3A_868] {strides = array<i32>} : memref<1024xf32, #tpu.memory_space<vmem>>, vector<16xf32>,
    %get3A_870 = vector.shape_cast %get3A_869 : vector<16xf32> to vector<16xf32>
    %max3A_871 = arith.constant 3.000000e-01 : f32
    %max3A_872 = vector.broadcast %max3A_871 : f32 to vector<16xf32>
    %max3A_873 = arith.maximumf %get3A_870, %max3A_872 : vector<16xf32>
    %min3A_874 = arith.constant 0.699999988 : f32
    %min3A_875 = vector.broadcast %min3A_874 : f32 to vector<16xf32>
    %min3A_876 = arith.minimumf %max3A_873, %min3A_875 : vector<16xf32>
    %swap3A_877 = arith.constant 960 : index
    %swap3A_878 = tpu.vector_load %arg6[%swap3A_877] {strides = array<i32>} : memref<1024xf32, #tpu.memory_space<vmem>>, vector<16xf32>,
    %swap3A_879 = vector.shape_cast %swap3A_878 : vector<16xf32> to vector<16xf32>
    %swap3A_880 = vector.shape_cast %min3A_876 : vector<16xf32> to vector<16xf32>
    tpu.vector_store %arg6[%swap3A_877], %swap3A_880 {strides = array<i32>} : memref<1024xf32, #tpu.memory_space<vmem>>, vector<16xf32>,
    %get3A_881 = arith.constant 976 : index
    %get3A_882 = tpu.vector_load %arg6[%get3A_881] {strides = array<i32>} : memref<1024xf32, #tpu.memory_space<vmem>>, vector<16xf32>,
    %get3A_883 = vector.shape_cast %get3A_882 : vector<16xf32> to vector<16xf32>
    %max3A_884 = arith.constant 3.000000e-01 : f32
    %max3A_885 = vector.broadcast %max3A_884 : f32 to vector<16xf32>
    %max3A_886 = arith.maximumf %get3A_883, %max3A_885 : vector<16xf32>
    %min3A_887 = arith.constant 0.699999988 : f32
    %min3A_888 = vector.broadcast %min3A_887 : f32 to vector<16xf32>
    %min3A_889 = arith.minimumf %max3A_886, %min3A_888 : vector<16xf32>
    %swap3A_890 = arith.constant 976 : index
    %swap3A_891 = tpu.vector_load %arg6[%swap3A_890] {strides = array<i32>} : memref<1024xf32, #tpu.memory_space<vmem>>, vector<16xf32>,
    %swap3A_892 = vector.shape_cast %swap3A_891 : vector<16xf32> to vector<16xf32>
    %swap3A_893 = vector.shape_cast %min3A_889 : vector<16xf32> to vector<16xf32>
    tpu.vector_store %arg6[%swap3A_890], %swap3A_893 {strides = array<i32>} : memref<1024xf32, #tpu.memory_space<vmem>>, vector<16xf32>,
    %get3A_894 = arith.constant 992 : index
    %get3A_895 = tpu.vector_load %arg6[%get3A_894] {strides = array<i32>} : memref<1024xf32, #tpu.memory_space<vmem>>, vector<16xf32>,
    %get3A_896 = vector.shape_cast %get3A_895 : vector<16xf32> to vector<16xf32>
    %max3A_897 = arith.constant 3.000000e-01 : f32
    %max3A_898 = vector.broadcast %max3A_897 : f32 to vector<16xf32>
    %max3A_899 = arith.maximumf %get3A_896, %max3A_898 : vector<16xf32>
    %min3A_900 = arith.constant 0.699999988 : f32
    %min3A_901 = vector.broadcast %min3A_900 : f32 to vector<16xf32>
    %min3A_902 = arith.minimumf %max3A_899, %min3A_901 : vector<16xf32>
    %swap3A_903 = arith.constant 992 : index
    %swap3A_904 = tpu.vector_load %arg6[%swap3A_903] {strides = array<i32>} : memref<1024xf32, #tpu.memory_space<vmem>>, vector<16xf32>,
    %swap3A_905 = vector.shape_cast %swap3A_904 : vector<16xf32> to vector<16xf32>
    %swap3A_906 = vector.shape_cast %min3A_902 : vector<16xf32> to vector<16xf32>
    tpu.vector_store %arg6[%swap3A_903], %swap3A_906 {strides = array<i32>} : memref<1024xf32, #tpu.memory_space<vmem>>, vector<16xf32>,
    %get3A_907 = arith.constant 1008 : index
    %get3A_908 = tpu.vector_load %arg6[%get3A_907] {strides = array<i32>} : memref<1024xf32, #tpu.memory_space<vmem>>, vector<16xf32>,
    %get3A_909 = vector.shape_cast %get3A_908 : vector<16xf32> to vector<16xf32>
    %max3A_910 = arith.constant 3.000000e-01 : f32
    %max3A_911 = vector.broadcast %max3A_910 : f32 to vector<16xf32>
    %max3A_912 = arith.maximumf %get3A_909, %max3A_911 : vector<16xf32>
    %min3A_913 = arith.constant 0.699999988 : f32
    %min3A_914 = vector.broadcast %min3A_913 : f32 to vector<16xf32>
    %min3A_915 = arith.minimumf %max3A_912, %min3A_914 : vector<16xf32>
    %swap3A_916 = arith.constant 1008 : index
    %swap3A_917 = tpu.vector_load %arg6[%swap3A_916] {strides = array<i32>} : memref<1024xf32, #tpu.memory_space<vmem>>, vector<16xf32>,
    %swap3A_918 = vector.shape_cast %swap3A_917 : vector<16xf32> to vector<16xf32>
    %swap3A_919 = vector.shape_cast %min3A_915 : vector<16xf32> to vector<16xf32>
    tpu.vector_store %arg6[%swap3A_916], %swap3A_919 {strides = array<i32>} : memref<1024xf32, #tpu.memory_space<vmem>>, vector<16xf32>,
    %add3A_920 = arith.constant 512 : i32
    %add3A_921 = arith.addi %mul3A_2, %add3A_920 : i32
    %dma_start3A_922 = arith.constant 0 : i32
    %dma_start3A_923 = arith.constant 512 : i32
    %dma_start3A_924 = tpu.memref_slice %arg6[%dma_start3A_923] : memref<1024xf32, #tpu.memory_space<vmem>> -> memref<512xf32, #tpu.memory_space<vmem>>
    %dma_start3A_925 = tpu.memref_slice %arg4[%add3A_921] : memref<16384xf32, #tpu.memory_space<hbm>> -> memref<512xf32, #tpu.memory_space<hbm>>
    %dma_start3A_926 = tpu.memref_slice %arg9[%dma_start3A_922] : memref<2x!tpu.dma_semaphore, #tpu.memory_space<semaphore_mem>> -> memref<1x!tpu.dma_semaphore, #tpu.memory_space<semaphore_mem>>
    %dma_start3A_927 = tpu.memref_squeeze %dma_start3A_926 : memref<1x!tpu.dma_semaphore, #tpu.memory_space<semaphore_mem>> -> memref<!tpu.dma_semaphore, #tpu.memory_space<semaphore_mem>>
    %dma_start3A_928 = tpu.memref_slice %arg4[%add3A_921] : memref<16384xf32, #tpu.memory_space<hbm>> -> memref<512xf32, #tpu.memory_space<hbm>>
    %dma_start3A_929 = arith.constant 512 : i32
    %dma_start3A_930 = tpu.memref_slice %arg6[%dma_start3A_929] : memref<1024xf32, #tpu.memory_space<vmem>> -> memref<512xf32, #tpu.memory_space<vmem>>
    tpu.enqueue_dma source(%dma_start3A_930 : memref<512xf32, #tpu.memory_space<vmem>>) target(%dma_start3A_928 : memref<512xf32, #tpu.memory_space<hbm>>) target_semaphore(%dma_start3A_927 : memref<!tpu.dma_semaphore, #tpu.memory_space<semaphore_mem>>)
    %dma_wait3A_931 = arith.constant 0 : i32
    %dma_wait3A_932 = tpu.memref_slice %arg4[%mul3A_2] : memref<16384xf32, #tpu.memory_space<hbm>> -> memref<1024xf32, #tpu.memory_space<hbm>>
    %dma_wait3A_933 = tpu.memref_slice %arg9[%dma_wait3A_931] : memref<2x!tpu.dma_semaphore, #tpu.memory_space<semaphore_mem>> -> memref<1x!tpu.dma_semaphore, #tpu.memory_space<semaphore_mem>>
    %dma_wait3A_934 = tpu.memref_squeeze %dma_wait3A_933 : memref<1x!tpu.dma_semaphore, #tpu.memory_space<semaphore_mem>> -> memref<!tpu.dma_semaphore, #tpu.memory_space<semaphore_mem>>
    %dma_wait3A_935 = tpu.memref_slice %arg4[%mul3A_2] : memref<16384xf32, #tpu.memory_space<hbm>> -> memref<1024xf32, #tpu.memory_space<hbm>>
    tpu.wait_dma2 semaphore(%dma_wait3A_934 : memref<!tpu.dma_semaphore, #tpu.memory_space<semaphore_mem>>) src(%arg6 : memref<1024xf32, #tpu.memory_space<vmem>>) dst(%dma_wait3A_935 : memref<1024xf32, #tpu.memory_space<hbm>>)
    return
  }
}

</mosaic_0001>

<sc_bundles>
// kernel: kernel.3.cloned.1.call-start
scs
__scs_entry_jumppad:
0x0: {  	(pc) =	sbr.rel $0x88, $3  }
0x1: {  	(tag) =	ssettag $0x0;
	lr =	simm.s32 $0x1  }
0x2: {  	[smem:$0x3F9F] =	sst lr;
	_ =	strace $0xD0000000  }
0x3: {  	_ = 	snop  }
0x4: {  	_ = 	snop  }
0x5: {  	_ = 	snop  }
0x6: {  	_ = 	snop  }
0x7: {  	_ = 	snop  }
__scs_overlays_trampoline_lowered:
0x8: {  	[smem:$0x3FAE] =	sst s0  }
0x9: {  	[smem:$0x3FAF] =	sst s1  }
0xa: {  	[smem:$0x3FB0] =	sst s2  }
0xb: {  	[smem:$0x3FB1] =	sst s3  }
0xc: {  	[smem:$0x3FB2] =	sst s4  }
0xd: {  	[smem:$0x3FB3] =	sst s5  }
0xe: {  	[smem:$0x3FB4] =	sst s6  }
0xf: {  	[smem:$0x3FB5] =	sst s7  }
0x10: {  	[smem:$0x3FB6] =	sst s8  }
0x11: {  	[smem:$0x3FB7] =	sst s9;
	s0 =	simm.s32 @!p0 $0x0  }
0x12: {  	s1 =	sld [smem:$0x3F9D];
	s0 =	simm.s32 @p0 $0x1  }
0x13: {  	[smem:$0x3FB8] =	sst s0;
	s0 =	simm.s32 @!p1 $0x0  }
0x14: {  	s2 =	sld [smem:$0x3F9C];
	s0 =	simm.s32 @p1 $0x1  }
0x15: {  	[smem:$0x3FB9] =	sst s0;
	s0 =	simm.s32 @!p2 $0x0  }
0x16: {  	s3 =	sld [smem:$0x3FDB];
	s0 =	simm.s32 @p2 $0x1  }
0x17: {  	s4 =	simm.s32 $0x1BF5;
	[smem:$0x3FBB] =	sst s0  }
0x18: {  	s0 =	sld [smem:$0x3F9E];
	_ =	swait.ge [sflag:s4], $0x0  }
0x19: {  	s7 =	sld [smem:$0x3F9F]  }
0x1a: {  	s8 =	sadd.s32 $0xFFFFE003, lr  }
0x1b: {  	s9 =	sadd.s32 $0xFFFFFEF7, lr;
	s5 =	simm.s32 $0xFFFFFFFF;
	p2 =	slt.u32 s8, $0xFFFFF086  }
0x1c: {  	p1 =	slt.u32 s9, $0xF7A;
	s5 =	simm.s32 @!p2 $0x0  }
0x1d: {  	s5 =	simm.s32 @p1 $0x1;
	p0 =	seq.s32 s7, s2  }
0x1e: {  	s7 =	smul.u32 @!p0 $0xF7A, s2;
	p2 =	seq.s32 @!p0 s5, $0x0  }
0x1f: {  	s9 =	smul.u32 $0xF7A, s1;
	s8 =	simm.s32 @!p0 $0x1BF5;
	p2 =	por !p2, p0  }
0x20: {  	[sflag:s8] =	ssyncset.s32 @!p0 $0xFFFFF086;
	s6 =	sadd.s32 @!p0 s3, s7;
	s7 =	simm.s32 @!p0 $0x108  }
0x21: {  	s3 =	sadd.s32 s3, s9;
	s6 =	sadd.s32 @!p0 $0x88, s6;
	s7 =	simm.s32 @p2 $0x1082  }
0x22: {  	[simem:s7], [sflag:s8] =	dma.local @!p0 [hbm:s6], $0xF7A  }
0x23: {  	s9 =	sor.u32 $0xD0000000, s2;
	s6 =	simm.s32 $0x108;
	_ =	swait.ge @!p0 [sflag:s8], $0x0  }
0x24: {  	s3 =	sadd.s32 $0x88, s3;
	s6 =	simm.s32 @!p1 $0x1082;
	[sflag:s4] =	ssyncset.s32 $0xFFFFF086  }
0x25: {  	[simem:s6], [sflag:s4] =	dma.local [hbm:s3], $0xF7A  }
0x26: {  	[smem:$0x3F9F] =	sst s1;
	(tag) =	ssettag s2;
	_ =	strace s9  }
0x27: {  	s1 =	sld [smem:$0x3FAF]  }
0x28: {  	s2 =	sld [smem:$0x3FB0]  }
0x29: {  	s4 =	sld [smem:$0x3FB2]  }
0x2a: {  	p0 =	seq.s32 s5, $0x0;
	s5 =	sld [smem:$0x3FB3]  }
0x2b: {  	s6 =	sld [smem:$0x3FB4]  }
0x2c: {  	s7 =	sld [smem:$0x3FB5]  }
0x2d: {  	s3 =	simm.s32 $0x108;
	s8 =	sld [smem:$0x3FB6]  }
0x2e: {  	s3 =	simm.s32 @!p0 $0x1082;
	s9 =	sld [smem:$0x3FB7]  }
0x2f: {  	lr =	sadd.s32 s0, s3;
	s0 =	sld [smem:$0x3FAE]  }
0x30: {  	s3 =	sld [smem:$0x3FB1]  }
0x31: {  	[smem:$0x3FBA] =	sst s10  }
0x32: {  	s10 =	sld [smem:$0x3FB8];
	_ =	sdelay $0x3  }
0x33: {  	p0 =	seq.s32 s10, $0x1;
	s10 =	sld [smem:$0x3FBA];
	_ =	sdelay $0x3  }
0x34: {  	[smem:$0x3FBA] =	sst s10  }
0x35: {  	s10 =	sld [smem:$0x3FB9];
	_ =	sdelay $0x3  }
0x36: {  	p1 =	seq.s32 s10, $0x1;
	s10 =	sld [smem:$0x3FBA];
	_ =	sdelay $0x3  }
0x37: {  	[smem:$0x3FBA] =	sst s10  }
0x38: {  	s10 =	sld [smem:$0x3FBB]  }
0x39: {  	_ = 	snop;
	(pc) =	sbr.ind lr, $3  }
0x3a: {  	_ = 	snop  }
0x3b: {  	_ = 	snop  }
0x3c: {  	p2 =	seq.s32 s10, $0x1;
	s10 =	sld [smem:$0x3FBA]  }
0x3d: {  	_ =	shalt  }
0x3e: {  	_ =	shalt  }
0x3f: {  	_ =	shalt  }
0x40: {  	_ =	shalt  }
0x41: {  	_ =	shalt  }
0x42: {  	_ =	shalt  }
0x43: {  	_ =	shalt  }
0x44: {  	_ =	shalt  }
0x45: {  	_ =	shalt  }
0x46: {  	_ =	shalt  }
0x47: {  	_ =	shalt  }
0x48: {  	_ =	shalt  }
0x49: {  	_ =	shalt  }
0x4a: {  	_ =	shalt  }
0x4b: {  	_ =	shalt  }
0x4c: {  	_ =	shalt  }
0x4d: {  	_ =	shalt  }
0x4e: {  	_ =	shalt  }
0x4f: {  	_ =	shalt  }
0x50: {  	_ =	shalt  }
0x51: {  	_ =	shalt  }
0x52: {  	_ =	shalt  }
0x53: {  	_ =	shalt  }
0x54: {  	_ =	shalt  }
0x55: {  	_ =	shalt  }
0x56: {  	_ =	shalt  }
0x57: {  	_ =	shalt  }
0x58: {  	_ =	shalt  }
0x59: {  	_ =	shalt  }
0x5a: {  	_ =	shalt  }
0x5b: {  	_ =	shalt  }
0x5c: {  	_ =	shalt  }
0x5d: {  	_ =	shalt  }
0x5e: {  	_ =	shalt  }
0x5f: {  	_ =	shalt  }
0x60: {  	_ =	shalt  }
0x61: {  	_ =	shalt  }
0x62: {  	_ =	shalt  }
0x63: {  	_ =	shalt  }
0x64: {  	_ =	shalt  }
0x65: {  	_ =	shalt  }
0x66: {  	_ =	shalt  }
0x67: {  	_ =	shalt  }
0x68: {  	_ =	shalt  }
0x69: {  	_ =	shalt  }
0x6a: {  	_ =	shalt  }
0x6b: {  	_ =	shalt  }
0x6c: {  	_ =	shalt  }
0x6d: {  	_ =	shalt  }
0x6e: {  	_ =	shalt  }
0x6f: {  	_ =	shalt  }
0x70: {  	_ =	shalt  }
0x71: {  	_ =	shalt  }
0x72: {  	_ =	shalt  }
0x73: {  	_ =	shalt  }
0x74: {  	_ =	shalt  }
0x75: {  	_ =	shalt  }
0x76: {  	_ =	shalt  }
0x77: {  	_ =	shalt  }
0x78: {  	_ =	shalt  }
0x79: {  	_ =	shalt  }
0x7a: {  	_ =	shalt  }
0x7b: {  	_ =	shalt  }
0x7c: {  	_ =	shalt  }
0x7d: {  	_ =	shalt  }
0x7e: {  	_ =	shalt  }
0x7f: {  	_ =	shalt  }
0x80: {  	_ =	shalt  }
0x81: {  	_ =	shalt  }
0x82: {  	_ =	shalt  }
0x83: {  	_ =	shalt  }
0x84: {  	_ =	shalt  }
0x85: {  	_ =	shalt  }
0x86: {  	_ =	shalt  }
0x87: {  	_ =	shalt  }
.Lfunc_end0:
.L_simem_size_0:
called_computation_lowered:
.L_overlay_start_0:
0x88: {  	s0 =	sld [smem:$0x3FD9]  }
0x89: {  	s1 =	sld [smem:$0x3FFE];
	_ =	sdelay $0x3  }
0x8a: {  	s0 =	sadd.s32 s1, s0  }
0x8b: {  	[smem:$0x3FC6] =	sst s0  }
0x8c: {  	_ = 	snop  }
0x8d: {  	s0 =	sld [smem:$0x3FC9]  }
0x8e: {  	s17 =	sld [smem:$0x3FC8]  }
0x8f: {  	s2 =	sld [smem:$0x3FD0];
	(tm) =	ssettm $0x1  }
0x90: {  	s3 =	sld [smem:$0x3FFB];
	_ =	sdelay $0x3  }
0x91: {  	_ =	strace s3  }
0x92: {  	s3 =	sld [smem:$0x3FFC];
	_ =	sdelay $0x3  }
0x93: {  	_ =	strace s3  }
0x94: {  	s3 =	sld [smem:$0x3FFD];
	_ =	sdelay $0x3  }
0x95: {  	_ =	strace s3  }
0x96: {  	_ =	strace $0x8FFFFFFF  }
0x97: {  	s18 =	sld [smem:$0x3FDB];
	_ =	sdelay $0x1  }
0x98: {  	s4 =	simm.s32 $_scs_section_size  }
0x99: {  	s5 =	simm.s32 $_size__tile_overlayer_lowered;
	s6 =	simm.s32 $_tile_overlayer_lowered  }
0x9a: {  	s21 =	simm.s32 $0x1BFF;
	s20 =	sshll.u32 s6, $0x1;
	s3 =	sadd.s32 s4, s18  }
0x9b: {  	s7 =	simm.s32 $0x0;
	s19 =	sshll.u32 s5, $0x1;
	s5 =	sadd.s32 s20, s3  }
0x9c: {  	[timem:s7], [sflag:s21] =	dma.local [hbm:s5], s19  }
0x9d: {  	_ =	swait.ge [sflag:s21], s19  }
0x9e: {  	s4 =	ssub.s32 $0x0, s19;
	[sflag:s21] =	ssyncset.done $0x0  }
0x9f: {  	[sflag:s21] =	ssyncadd.s32 s4;
	_ =	sdelay $0x1  }
0xa0: {  	s22 =	simm.s32 $0x1B8B  }
0xa1: {  	_ =	swait.ge [sflag:s22], $0x1  }
0xa2: {  	[sflag:s22] =	ssyncset.done $0x0  }
0xa3: {  	s23 =	simm.s32 $0x1B8E;
	[sflag:s22] =	ssyncadd.s32 $0xFFFFFFFF  }
0xa4: {  	s24 =	simm.s32 $execute0_lowered;
	[smem:$0x3FD2] =	sst s23  }
0xa5: {  	s4 =	sshll.u32 s24, $0x1;
	_ =	strace $0x80000046;
	[dreg:$0x1] =	wrdreg $0xFFFFFFFF  }
0xa6: {  	s25 =	simm.s32 $_size_execute0_lowered;
	s3 =	sadd.s32 s3, s4;
	[dreg:$0x0] =	wrdreg $0x0  }
0xa7: {  	s4 =	sshll.u32 s25, $0x1;
	[dreg:$0x2] =	wrdreg s3  }
0xa8: {  	[dreg:$0x3] =	wrdreg s4  }
0xa9: {  	[dreg:$0x4] =	wrdreg $0xC0  }
0xaa: {  	_ =	task [dreg:s7], $0x5FFFF  }
0xab: {  	[dreg:$0x1] =	wrdreg $0xFFFFFFFF  }
0xac: {  	[dreg:$0x0] =	wrdreg $0x60  }
0xad: {  	[dreg:$0x2] =	wrdreg s0  }
0xae: {  	[dreg:$0x3] =	wrdreg s17  }
0xaf: {  	[dreg:$0x4] =	wrdreg s2  }
0xb0: {  	[dreg:$0x5] =	wrdreg $0x9  }
0xb1: {  	_ =	task.clear_ibuf [dreg:s7], $0x6FFFF;
	_ =	strace $0x90000046  }
0xb2: {  	s26 =	simm.s32 $0x9;
	_ =	strace $0x80000048  }
0xb3: {  	_ =	swait.ge [sflag:s26], $0x1  }
0xb4: {  	[sflag:s26] =	ssyncadd.s32 $0xFFFFFFFF  }
0xb5: {  	_ =	strace $0x90000048  }
0xb6: {  	_ =	sfence  }
0xb7: {  	s28 =	sld [smem:$0x0];
	_ =	sdelay $0x1  }
0xb8: {  	s29 =	srdreg.scid  }
0xb9: {  	s30 =	sshll.u32 s29, $0xD;
	s31 =	sshrl.u32 s29, $0x2  }
0xba: {  	s1 =	sand.u32 $0x1, s29;
	s2 =	sand.u32 $0x4000, s30;
	s0 =	sadd.s32 s31, s28  }
0xbb: {  	s1 =	sor.u32 s2, s1;
	s0 =	sshll.u32 s0, $0x11  }
0xbc: {  	s0 =	sor.u32 s0, s1  }
0xbd: {  	s0 =	sadd.s32 $0x8F2B, s0  }
0xbe: {  	[sflag:s0] =	ssyncadd.remote.s32 $0x1  }
0xbf: {  	_ =	sfence.sel $0xFFFF  }
0xc0: {  	[dreg:$0x0] =	wrdreg $0xFFFFFFFF;
	(pc) =	sbr.abs _section_cstart, $3  }
0xc1: {  	[dreg:$0x1] =	wrdreg $0xFFFFFFFF  }
0xc2: {  	_ =	task.clear_ibuf [dreg:s7], $0x2FFFF;
	_ =	strace $0x9FFFFFFF  }
0xc3: {  	(tm) =	ssettm $0x7FFFFFFF  }
tec
execute0_lowered:
.L_overlay_start_1:
0x0: {  	(tag) =	ssettag $0x1  }
0x1: {  	s8 =	rddreg [dreg:$0x0]  }
0x2: {  	s5 =	rddreg [dreg:$0x1]  }
0x3: {  	s2 =	rddreg [dreg:$0x2]  }
0x4: {  	s0 =	rddreg [dreg:$0x3];
	s3 =	simm.s32 $0x0;
	s1 =	stileid.u32  }
0x5: {  	[smem:$0x7FF] =	sst s3;
	s6 =	sshll.u32 s1, $0x7  }
0x6: {  	_ =	strace $0x80000047;
	s7 =	sadd.s32 s5, s6;
	s4 =	sor.u32 $0x40, s6  }
0x7: {  	[tilespmem:s3], [sflag:$0x1] =	stream.linear.gather [hbm4b:s7+s3], $0x200, $0x38;
	[tilespmem:$0x800] =	vst v63  }
0x8: {  	s9 =	simm.s32 $0x200;
	s24 =	simm.s32 $0x1;
	s5 =	sadd.s32 s5, s4  }
0x9: {  	[tilespmem:s9], [sflag:$0x2] =	stream.linear.gather [hbm4b:s5+s3], $0x200, $0x38;
	[tilespmem:$0x800] =	vst v63  }
0xa: {  	_ =	swait.ge [sflag:s24], $0x200  }
0xb: {  	[sflag:s24] =	ssyncset.done $0x0  }
0xc: {  	s25 =	simm.s32 $0x400;
	s26 =	simm.s32 $0x2;
	[sflag:s24] =	ssyncadd.s32 $0xFFFFFE00  }
0xd: {  	[tilespmem:s25], [sflag:$0x3] =	stream.indirect.gather [hbm4b:s8+s9], $0x1, s3, s9, $0xb8;
	[tilespmem:$0x800] =	vst v63  }
0xe: {  	_ =	swait.ge [sflag:s26], $0x200  }
0xf: {  	[sflag:s26] =	ssyncset.done $0x0  }
0x10: {  	s28 =	simm.s32 $0x600;
	s29 =	simm.s32 $0x3;
	[sflag:s26] =	ssyncadd.s32 $0xFFFFFE00  }
0x11: {  	[tilespmem:s28], [sflag:$0x4] =	stream.indirect.gather [hbm4b:s8+s9], $0x1, s9, s9, $0xb8;
	[tilespmem:$0x800] =	vst v63  }
0x12: {  	_ =	swait.ge [sflag:s29], $0x200  }
0x13: {  	[sflag:s29] =	ssyncset.done $0x0  }
0x14: {  	[sflag:s29] =	ssyncadd.s32 $0xFFFFFE00  }
0x15: {  	v0 =	vld [tilespmem:$0x400]  }
0x16: {  	v1 =	vld [tilespmem:$0x410]  }
0x17: {  	v2 =	vld [tilespmem:$0x420]  }
0x18: {  	v3 =	vld [tilespmem:$0x430]  }
0x19: {  	v4 =	vld [tilespmem:$0x440]  }
0x1a: {  	v5 =	vld [tilespmem:$0x450];
	v0 =	vmax.f32 v0, $3.000000120e-01  }
0x1b: {  	v6 =	vld [tilespmem:$0x460];
	v1 =	vmax.f32 v1, $3.000000120e-01;
	v0 =	vmin.f32 v0, $6.999999880e-01  }
0x1c: {  	v54 =	vld [tilespmem:$0x470];
	v53 =	vmax.f32 v2, $3.000000120e-01;
	v52 =	vmin.f32 v1, $6.999999880e-01;
	[tilespmem:$0x400] =	vst v0  }
0x1d: {  	v57 =	vld [tilespmem:$0x480];
	v56 =	vmax.f32 v3, $3.000000120e-01;
	v55 =	vmin.f32 v53, $6.999999880e-01;
	[tilespmem:$0x410] =	vst v52  }
0x1e: {  	v60 =	vld [tilespmem:$0x490];
	v59 =	vmax.f32 v4, $3.000000120e-01;
	v58 =	vmin.f32 v56, $6.999999880e-01;
	[tilespmem:$0x420] =	vst v55  }
0x1f: {  	v63 =	vld [tilespmem:$0x4A0];
	v62 =	vmax.f32 v5, $3.000000120e-01;
	v61 =	vmin.f32 v59, $6.999999880e-01;
	[tilespmem:$0x430] =	vst v58  }
0x20: {  	v11 =	vld [tilespmem:$0x4B0];
	v10 =	vmax.f32 v6, $3.000000120e-01;
	v9 =	vmin.f32 v62, $6.999999880e-01;
	[tilespmem:$0x440] =	vst v61  }
0x21: {  	v14 =	vld [tilespmem:$0x4C0];
	v13 =	vmax.f32 v54, $3.000000120e-01;
	v12 =	vmin.f32 v10, $6.999999880e-01;
	[tilespmem:$0x450] =	vst v9  }
0x22: {  	v17 =	vld [tilespmem:$0x4D0];
	v16 =	vmax.f32 v57, $3.000000120e-01;
	v15 =	vmin.f32 v13, $6.999999880e-01;
	[tilespmem:$0x460] =	vst v12  }
0x23: {  	v20 =	vld [tilespmem:$0x4E0];
	v19 =	vmax.f32 v60, $3.000000120e-01;
	v18 =	vmin.f32 v16, $6.999999880e-01;
	[tilespmem:$0x470] =	vst v15  }
0x24: {  	v23 =	vld [tilespmem:$0x4F0];
	v22 =	vmax.f32 v63, $3.000000120e-01;
	v21 =	vmin.f32 v19, $6.999999880e-01;
	[tilespmem:$0x480] =	vst v18  }
0x25: {  	v26 =	vld [tilespmem:$0x500];
	v25 =	vmax.f32 v11, $3.000000120e-01;
	v24 =	vmin.f32 v22, $6.999999880e-01;
	[tilespmem:$0x490] =	vst v21  }
0x26: {  	v29 =	vld [tilespmem:$0x510];
	v28 =	vmax.f32 v14, $3.000000120e-01;
	v27 =	vmin.f32 v25, $6.999999880e-01;
	[tilespmem:$0x4A0] =	vst v24  }
0x27: {  	v32 =	vld [tilespmem:$0x520];
	v31 =	vmax.f32 v17, $3.000000120e-01;
	v30 =	vmin.f32 v28, $6.999999880e-01;
	[tilespmem:$0x4B0] =	vst v27  }
0x28: {  	v35 =	vld [tilespmem:$0x530];
	v34 =	vmax.f32 v20, $3.000000120e-01;
	v33 =	vmin.f32 v31, $6.999999880e-01;
	[tilespmem:$0x4C0] =	vst v30  }
0x29: {  	v50 =	vld [tilespmem:$0x580];
	v37 =	vmax.f32 v23, $3.000000120e-01;
	v36 =	vmin.f32 v34, $6.999999880e-01;
	[tilespmem:$0x4D0] =	vst v33  }
0x2a: {  	v38 =	vld [tilespmem:$0x540];
	v40 =	vmax.f32 v26, $3.000000120e-01;
	v39 =	vmin.f32 v37, $6.999999880e-01;
	[tilespmem:$0x4E0] =	vst v36  }
0x2b: {  	v41 =	vld [tilespmem:$0x550];
	v43 =	vmax.f32 v29, $3.000000120e-01;
	v42 =	vmin.f32 v40, $6.999999880e-01;
	[tilespmem:$0x4F0] =	vst v39  }
0x2c: {  	v44 =	vld [tilespmem:$0x560];
	v46 =	vmax.f32 v32, $3.000000120e-01;
	v45 =	vmin.f32 v43, $6.999999880e-01;
	[tilespmem:$0x500] =	vst v42  }
0x2d: {  	v47 =	vld [tilespmem:$0x570];
	v49 =	vmax.f32 v35, $3.000000120e-01;
	v48 =	vmin.f32 v46, $6.999999880e-01;
	[tilespmem:$0x510] =	vst v45  }
0x2e: {  	v8 =	vmax.f32 v50, $3.000000120e-01;
	v51 =	vmin.f32 v49, $6.999999880e-01;
	v53 =	vld [tilespmem:$0x590];
	[tilespmem:$0x520] =	vst v48  }
0x2f: {  	v56 =	vld [tilespmem:$0x5A0];
	v10 =	vmin.f32 v8, $6.999999880e-01;
	v52 =	vmax.f32 v38, $3.000000120e-01;
	[tilespmem:$0x530] =	vst v51  }
0x30: {  	v59 =	vld [tilespmem:$0x5B0];
	v55 =	vmax.f32 v41, $3.000000120e-01;
	[tilespmem:$0x580] =	vst v10;
	v54 =	vmin.f32 v52, $6.999999880e-01  }
0x31: {  	v62 =	vld [tilespmem:$0x5C0];
	v58 =	vmax.f32 v44, $3.000000120e-01;
	v57 =	vmin.f32 v55, $6.999999880e-01;
	[tilespmem:$0x540] =	vst v54  }
0x32: {  	v61 =	vmax.f32 v47, $3.000000120e-01;
	v9 =	vld [tilespmem:$0x5D0];
	v60 =	vmin.f32 v58, $6.999999880e-01;
	[tilespmem:$0x550] =	vst v57  }
0x33: {  	v12 =	vld [tilespmem:$0x5E0];
	v63 =	vmin.f32 v61, $6.999999880e-01;
	[tilespmem:$0x560] =	vst v60;
	v11 =	vmax.f32 v53, $3.000000120e-01  }
0x34: {  	v15 =	vld [tilespmem:$0x5F0];
	[tilespmem:$0x570] =	vst v63;
	v14 =	vmax.f32 v56, $3.000000120e-01;
	v13 =	vmin.f32 v11, $6.999999880e-01  }
0x35: {  	v17 =	vmax.f32 v59, $3.000000120e-01;
	v16 =	vmin.f32 v14, $6.999999880e-01;
	[tilespmem:$0x590] =	vst v13  }
0x36: {  	v19 =	vmax.f32 v62, $3.000000120e-01;
	v18 =	vmin.f32 v17, $6.999999880e-01;
	[tilespmem:$0x5A0] =	vst v16  }
0x37: {  	v20 =	vmin.f32 v19, $6.999999880e-01;
	v21 =	vmax.f32 v9, $3.000000120e-01;
	[tilespmem:$0x5B0] =	vst v18  }
0x38: {  	v23 =	vmax.f32 v12, $3.000000120e-01;
	[tilespmem:$0x5C0] =	vst v20;
	v22 =	vmin.f32 v21, $6.999999880e-01  }
0x39: {  	v25 =	vmax.f32 v15, $3.000000120e-01;
	v24 =	vmin.f32 v23, $6.999999880e-01;
	[tilespmem:$0x5D0] =	vst v22  }
0x3a: {  	v26 =	vmin.f32 v25, $6.999999880e-01;
	[tilespmem:$0x5E0] =	vst v24  }
0x3b: {  	s30 =	simm.s32 $0x4;
	s6 =	sadd.s32 s2, s6;
	[tilespmem:$0x5F0] =	vst v26  }
0x3c: {  	[hbm4b:s6+s3] =	stream.linear.scatter [tilespmem:s25], [sflag:$0x5], $0x200, $0x38;
	[tilespmem:$0x800] =	vst v63  }
0x3d: {  	_ =	swait.ge [sflag:s30], $0x200  }
0x3e: {  	[sflag:s30] =	ssyncset.done $0x0  }
0x3f: {  	[sflag:s30] =	ssyncadd.s32 $0xFFFFFE00  }
0x40: {  	v27 =	vld [tilespmem:$0x600]  }
0x41: {  	v28 =	vld [tilespmem:$0x610]  }
0x42: {  	v29 =	vld [tilespmem:$0x620]  }
0x43: {  	v30 =	vld [tilespmem:$0x630]  }
0x44: {  	v31 =	vld [tilespmem:$0x640]  }
0x45: {  	v32 =	vld [tilespmem:$0x650];
	v0 =	vmax.f32 v27, $3.000000120e-01  }
0x46: {  	v33 =	vld [tilespmem:$0x660];
	v1 =	vmax.f32 v28, $3.000000120e-01;
	v0 =	vmin.f32 v0, $6.999999880e-01  }
0x47: {  	v36 =	vld [tilespmem:$0x670];
	v35 =	vmax.f32 v29, $3.000000120e-01;
	v34 =	vmin.f32 v1, $6.999999880e-01;
	[tilespmem:$0x600] =	vst v0  }
0x48: {  	v39 =	vld [tilespmem:$0x680];
	v38 =	vmax.f32 v30, $3.000000120e-01;
	v37 =	vmin.f32 v35, $6.999999880e-01;
	[tilespmem:$0x610] =	vst v34  }
0x49: {  	v42 =	vld [tilespmem:$0x690];
	v41 =	vmax.f32 v31, $3.000000120e-01;
	v40 =	vmin.f32 v38, $6.999999880e-01;
	[tilespmem:$0x620] =	vst v37  }
0x4a: {  	v45 =	vld [tilespmem:$0x6A0];
	v44 =	vmax.f32 v32, $3.000000120e-01;
	v43 =	vmin.f32 v41, $6.999999880e-01;
	[tilespmem:$0x630] =	vst v40  }
0x4b: {  	v48 =	vld [tilespmem:$0x6B0];
	v47 =	vmax.f32 v33, $3.000000120e-01;
	v46 =	vmin.f32 v44, $6.999999880e-01;
	[tilespmem:$0x640] =	vst v43  }
0x4c: {  	v51 =	vld [tilespmem:$0x6C0];
	v50 =	vmax.f32 v36, $3.000000120e-01;
	v49 =	vmin.f32 v47, $6.999999880e-01;
	[tilespmem:$0x650] =	vst v46  }
0x4d: {  	v54 =	vld [tilespmem:$0x6D0];
	v53 =	vmax.f32 v39, $3.000000120e-01;
	v52 =	vmin.f32 v50, $6.999999880e-01;
	[tilespmem:$0x660] =	vst v49  }
0x4e: {  	v57 =	vld [tilespmem:$0x6E0];
	v56 =	vmax.f32 v42, $3.000000120e-01;
	v55 =	vmin.f32 v53, $6.999999880e-01;
	[tilespmem:$0x670] =	vst v52  }
0x4f: {  	v60 =	vld [tilespmem:$0x6F0];
	v59 =	vmax.f32 v45, $3.000000120e-01;
	v58 =	vmin.f32 v56, $6.999999880e-01;
	[tilespmem:$0x680] =	vst v55  }
0x50: {  	v63 =	vld [tilespmem:$0x700];
	v62 =	vmax.f32 v48, $3.000000120e-01;
	v61 =	vmin.f32 v59, $6.999999880e-01;
	[tilespmem:$0x690] =	vst v58  }
0x51: {  	v10 =	vld [tilespmem:$0x710];
	v9 =	vmax.f32 v51, $3.000000120e-01;
	v8 =	vmin.f32 v62, $6.999999880e-01;
	[tilespmem:$0x6A0] =	vst v61  }
0x52: {  	v13 =	vld [tilespmem:$0x720];
	v12 =	vmax.f32 v54, $3.000000120e-01;
	v11 =	vmin.f32 v9, $6.999999880e-01;
	[tilespmem:$0x6B0] =	vst v8  }
0x53: {  	v16 =	vld [tilespmem:$0x730];
	v15 =	vmax.f32 v57, $3.000000120e-01;
	v14 =	vmin.f32 v12, $6.999999880e-01;
	[tilespmem:$0x6C0] =	vst v11  }
0x54: {  	v19 =	vld [tilespmem:$0x740];
	v18 =	vmax.f32 v60, $3.000000120e-01;
	v17 =	vmin.f32 v15, $6.999999880e-01;
	[tilespmem:$0x6D0] =	vst v14  }
0x55: {  	v22 =	vld [tilespmem:$0x750];
	v21 =	vmax.f32 v63, $3.000000120e-01;
	v20 =	vmin.f32 v18, $6.999999880e-01;
	[tilespmem:$0x6E0] =	vst v17  }
0x56: {  	v25 =	vld [tilespmem:$0x760];
	v24 =	vmax.f32 v10, $3.000000120e-01;
	v23 =	vmin.f32 v21, $6.999999880e-01;
	[tilespmem:$0x6F0] =	vst v20  }
0x57: {  	v27 =	vmax.f32 v13, $3.000000120e-01;
	v28 =	vld [tilespmem:$0x770];
	v26 =	vmin.f32 v24, $6.999999880e-01;
	[tilespmem:$0x700] =	vst v23  }
0x58: {  	v30 =	vmax.f32 v16, $3.000000120e-01;
	v31 =	vld [tilespmem:$0x780];
	v29 =	vmin.f32 v27, $6.999999880e-01;
	[tilespmem:$0x710] =	vst v26  }
0x59: {  	v33 =	vmax.f32 v19, $3.000000120e-01;
	v32 =	vmin.f32 v30, $6.999999880e-01;
	[tilespmem:$0x720] =	vst v29;
	v34 =	vld [tilespmem:$0x790]  }
0x5a: {  	v36 =	vmax.f32 v22, $3.000000120e-01;
	v35 =	vmin.f32 v33, $6.999999880e-01;
	[tilespmem:$0x730] =	vst v32;
	v37 =	vld [tilespmem:$0x7A0]  }
0x5b: {  	v39 =	vmax.f32 v25, $3.000000120e-01;
	v38 =	vmin.f32 v36, $6.999999880e-01;
	[tilespmem:$0x740] =	vst v35;
	v40 =	vld [tilespmem:$0x7B0]  }
0x5c: {  	v41 =	vmin.f32 v39, $6.999999880e-01;
	[tilespmem:$0x750] =	vst v38;
	v43 =	vld [tilespmem:$0x7C0];
	v42 =	vmax.f32 v28, $3.000000120e-01  }
0x5d: {  	[tilespmem:$0x760] =	vst v41;
	v46 =	vld [tilespmem:$0x7D0];
	v45 =	vmax.f32 v31, $3.000000120e-01;
	v44 =	vmin.f32 v42, $6.999999880e-01  }
0x5e: {  	v49 =	vld [tilespmem:$0x7E0];
	v47 =	vmin.f32 v45, $6.999999880e-01;
	[tilespmem:$0x770] =	vst v44;
	v48 =	vmax.f32 v34, $3.000000120e-01  }
0x5f: {  	v52 =	vld [tilespmem:$0x7F0];
	[tilespmem:$0x780] =	vst v47;
	v51 =	vmax.f32 v37, $3.000000120e-01;
	v50 =	vmin.f32 v48, $6.999999880e-01  }
0x60: {  	v54 =	vmax.f32 v40, $3.000000120e-01;
	v53 =	vmin.f32 v51, $6.999999880e-01;
	[tilespmem:$0x790] =	vst v50  }
0x61: {  	v56 =	vmax.f32 v43, $3.000000120e-01;
	v55 =	vmin.f32 v54, $6.999999880e-01;
	[tilespmem:$0x7A0] =	vst v53  }
0x62: {  	v58 =	vmax.f32 v46, $3.000000120e-01;
	v57 =	vmin.f32 v56, $6.999999880e-01;
	[tilespmem:$0x7B0] =	vst v55  }
0x63: {  	v60 =	vmax.f32 v49, $3.000000120e-01;
	v59 =	vmin.f32 v58, $6.999999880e-01;
	[tilespmem:$0x7C0] =	vst v57  }
0x64: {  	v62 =	vmax.f32 v52, $3.000000120e-01;
	v61 =	vmin.f32 v60, $6.999999880e-01;
	[tilespmem:$0x7D0] =	vst v59  }
0x65: {  	v63 =	vmin.f32 v62, $6.999999880e-01;
	[tilespmem:$0x7E0] =	vst v61  }
0x66: {  	s31 =	simm.s32 $0x5;
	s2 =	sadd.s32 s2, s4;
	[tilespmem:$0x7F0] =	vst v63  }
0x67: {  	[hbm4b:s2+s3] =	stream.linear.scatter [tilespmem:s28], [sflag:$0x5], $0x200, $0x38;
	[tilespmem:$0x800] =	vst v63  }
0x68: {  	_ =	swait.ge [sflag:s31], $0x400  }
0x69: {  	[sflag:s31] =	ssyncset.done $0x0  }
0x6a: {  	[sflag:s31] =	ssyncadd.s32 $0xFFFFFC00  }
0x6b: {  	_ =	sfence.sel $0x180000  }
0x6c: {  	[bflag:$0x0] =	sbarrier.arrive $0xFFFF  }
0x6d: {  	p0 =	sne.s32 s1, $0x0;
	_ =	strace $0x90000047  }
0x6e: {  	s0 =	sadd.s32 @!p0 $0x100000, s0;
	[bflag:$0x2] =	sbarrier.arrive $0xFFFF  }
0x6f: {  	[sflag:s0] =	ssyncadd.tile.s32 @!p0 $0x1;
	_ =	shalt  }
.Lfunc_end2:
_tile_overlayer_lowered:
.L_overlay_start_2:
0x70: {  	(tag) =	ssettag $0x2  }
0x71: {  	s0 =	rddreg [dreg:$0x0];
	s2 =	stileid.u32  }
0x72: {  	s1 =	rddreg [dreg:$0x1];
	p0 =	sne.s32 s2, $0x0  }
0x73: {  	s3 =	rddreg [dreg:$0x2];
	[bflag:$0x3] =	sbarrier.arrive $0xFFFF;
	s2 =	simm.s32 @!p0 $0x1C07  }
0x74: {  	[timem:s3], [sflag:s2] =	dma.local @!p0 [hbm:s0], s1  }
0x75: {  	s0 =	simm.s32 @!p0 $0x7  }
0x76: {  	_ =	swait.ge @!p0 [sflag:s0], s1  }
0x77: {  	s1 =	ssub.s32 @!p0 $0x0, s1;
	[sflag:s0] =	ssyncset.done @!p0 $0x0  }
0x78: {  	[sflag:s0] =	ssyncadd.s32 @!p0 s1  }
0x79: {  	[bflag:$0x3] =	sbarrier.arrive $0xFFFF  }
0x7a: {  	_ =	shalt  }

</sc_bundles>
